<compile_context>
chip_gen: v7x
topology: tpu7x:2x2x1
jax: 0.10.2.dev20260603
libtpu: 0.0.44.dev20260713+nightly
codegen_flags: <defaults>
</compile_context>

<pallas_src>
import functools

import numpy as np
import jax
import jax.numpy as jnp
from jax import lax
from jax.experimental import pallas as pl
from jax.experimental.pallas import tpu as pltpu
from jax.experimental.pallas import tpu_sc as plsc

_N_FFT = 1024
_HOP = 256
_PAD = _N_FFT // 2
_EPAD = 256
_TOKPAD = 64

_n = np.arange(_N_FFT)
_w = (0.5 - 0.5 * np.cos(2.0 * np.pi * _n / _N_FFT)).astype(np.float32)
_walt = (_w * np.where(_n % 2 == 0, 1.0, -1.0)).astype(np.float32)
_wsq = (_w * _w).astype(np.float32)
_WMAT = np.zeros((16, _HOP), np.float32)
_WMAT[0:4] = _w.reshape(4, _HOP)
_WMAT[4:8] = _walt.reshape(4, _HOP)
_WMAT[8:12] = _wsq.reshape(4, _HOP)


def _energy_kernel(x_ref, xb_ref, w_ref, wr_ref, out_ref):
    x = x_ref[:]
    xb = xb_ref[:]
    w = w_ref[:]
    wr = wr_ref[:]
    B, n_interior, _ = x.shape
    n_chunks = n_interior + 4
    n_frames = n_chunks - 3

    xsq = x * x
    xbsq = xb * xb
    a = []
    for j in range(4):
        wj = w[j:j + 1, :].reshape(1, 1, _HOP)
        wjalt = w[j + 4:j + 5, :].reshape(1, 1, _HOP)
        wjsq = w[j + 8:j + 9, :].reshape(1, 1, _HOP)
        rj = wr[j:j + 1, :].reshape(1, 1, _HOP)
        rjalt = wr[j + 4:j + 5, :].reshape(1, 1, _HOP)
        rjsq = wr[j + 8:j + 9, :].reshape(1, 1, _HOP)
        ai = jnp.sum(x * wj, axis=-1)
        bi = jnp.sum(x * wjalt, axis=-1)
        ci = jnp.sum(xsq * wjsq, axis=-1)
        ab = jnp.sum(xb * rj, axis=-1)
        bb = jnp.sum(xb * rjalt, axis=-1)
        cb = jnp.sum(xbsq * rjsq, axis=-1)
        a.append((
            jnp.concatenate([ab[:, 1:2], ab[:, 0:1], ai,
                             ab[:, 3:4], ab[:, 2:3]], axis=1),
            jnp.concatenate([bb[:, 1:2], bb[:, 0:1], bi,
                             bb[:, 3:4], bb[:, 2:3]], axis=1),
            jnp.concatenate([cb[:, 1:2], cb[:, 0:1], ci,
                             cb[:, 3:4], cb[:, 2:3]], axis=1),
        ))

    s0 = a[0][0][:, 0:n_frames] + a[1][0][:, 1:n_frames + 1] \
        + a[2][0][:, 2:n_frames + 2] + a[3][0][:, 3:n_frames + 3]
    s1 = a[0][1][:, 0:n_frames] + a[1][1][:, 1:n_frames + 1] \
        + a[2][1][:, 2:n_frames + 2] + a[3][1][:, 3:n_frames + 3]
    s2 = a[0][2][:, 0:n_frames] + a[1][2][:, 1:n_frames + 1] \
        + a[2][2][:, 2:n_frames + 2] + a[3][2][:, 3:n_frames + 3]

    power = 0.5 * (_N_FFT * s2 + s0 * s0 + s1 * s1)
    e = jnp.sqrt(jnp.maximum(power, 1e-10))

    out_ref[:] = jnp.zeros((B, _EPAD), jnp.float32)
    out_ref[:, 0:n_frames] = e


def _make_sc_segment_mean(B, n_tok):
    mesh = plsc.VectorSubcoreMesh(core_axis_name="c", subcore_axis_name="s",
                                  num_cores=1)

    @functools.partial(
        pl.kernel, mesh=mesh,
        out_type=jax.ShapeDtypeStruct((B, _TOKPAD), jnp.float32),
        compiler_params=pltpu.CompilerParams(
            needs_layout_passes=False,
            disable_bounds_checks=True,
            disable_semaphore_checks=True,
        ),
        scratch_types=[
            pltpu.VMEM((_EPAD,), jnp.float32),
            pltpu.VMEM((_EPAD,), jnp.float32),
            pltpu.VMEM((_EPAD,), jnp.float32),
            pltpu.VMEM((_TOKPAD,), jnp.int32),
            pltpu.VMEM((_TOKPAD,), jnp.int32),
            pltpu.VMEM((_TOKPAD,), jnp.float32),
            pltpu.SemaphoreType.DMA,
        ],
    )
    def sc_kernel(e_hbm, d_hbm, out_hbm, e0_v, e1_v, p_v, d0_v, d1_v,
                  tok_v, sem):
        wid = lax.axis_index("c") * 16 + lax.axis_index("s")

        def compute_toks(e_v, d_v):
            carry = jnp.float32(0.0)
            for c in range(_EPAD // 16):
                ch = e_v[pl.ds(c * 16, 16)]
                incl = plsc.cumsum(ch)
                p_v[pl.ds(c * 16, 16)] = (incl - ch) + carry
                carry = carry + jnp.sum(ch)
            dcarry = jnp.int32(0)
            for c in range(_TOKPAD // 16):
                dch = d_v[pl.ds(c * 16, 16)]
                ends = plsc.cumsum(dch) + dcarry
                starts = ends - dch
                dcarry = dcarry + jnp.sum(dch)
                pe = plsc.load_gather(p_v, [ends])
                ps = plsc.load_gather(p_v, [starts])
                dchf = dch.astype(jnp.float32)
                tok_v[pl.ds(c * 16, 16)] = jnp.where(
                    dch > 0, (pe - ps) / dchf, jnp.float32(0.0))

        @pl.when(wid < B)
        def _():
            cps = [pltpu.async_copy(e_hbm.at[0], e0_v, sem),
                   pltpu.async_copy(d_hbm.at[0], d0_v, sem),
                   pltpu.async_copy(e_hbm.at[wid], e1_v, sem),
                   pltpu.async_copy(d_hbm.at[wid], d1_v, sem)]
            for cp in cps:
                cp.wait()
            compute_toks(e0_v, d0_v)
            sv = jnp.zeros((16,), jnp.float32)
            nv = jnp.zeros((16,), jnp.float32)
            for c in range(_TOKPAD // 16):
                tc = tok_v[pl.ds(c * 16, 16)]
                sv = sv + tc
                nv = nv + (tc != 0.0).astype(jnp.float32)
            sb = jnp.full((16,), jnp.sum(sv), jnp.float32)
            nb = jnp.full((16,), jnp.sum(nv), jnp.float32)
            inv_avg = jnp.maximum(nb, 1.0) / sb

            compute_toks(e1_v, d1_v)
            for c in range(_TOKPAD // 16):
                tok_v[pl.ds(c * 16, 16)] = tok_v[pl.ds(c * 16, 16)] * inv_avg
            pltpu.sync_copy(tok_v, out_hbm.at[wid])

    return sc_kernel


def kernel(input_waves, durations, durations_lengths):
    B, T = input_waves.shape
    x3 = input_waves.reshape(B, T // _HOP, _HOP)
    xb = jnp.concatenate(
        [input_waves[:, 1:2 * _HOP + 1].reshape(B, 2, _HOP),
         input_waves[:, T - 2 * _HOP - 1:T - 1].reshape(B, 2, _HOP)],
        axis=1)
    n_tok = durations.shape[1]
    d64 = jnp.pad(durations.astype(jnp.int32),
                  ((0, 0), (0, _TOKPAD - n_tok)))
    e256 = pl.pallas_call(
        _energy_kernel,
        out_shape=jax.ShapeDtypeStruct((B, _EPAD), jnp.float32),
    )(x3, xb, jnp.asarray(_WMAT), jnp.asarray(_WMAT[:, ::-1].copy()))
    tok = _make_sc_segment_mean(B, n_tok)(e256, d64)
    return (tok[:, :n_tok, None], durations_lengths)

# --- scband reference (transcript-rebuilt; emitter-appended) ---
"""Pipeline reference for scband-energy-calculator-31250182045735 (READ-ONLY COPY).

The authoritative reference and input builder live on the scoring server;
editing this copy changes nothing except your own understanding.
"""

import jax, jax.numpy as jnp
import numpy as np

N_FFT = 1024
HOP = 256

def _stft_energy(waves):
    # torch.stft with center=True (reflect pad), hann window, onesided, normalized=False
    pad = N_FFT // 2
    x = jnp.pad(waves, ((0, 0), (pad, pad)), mode='reflect')
    n_frames = 1 + (x.shape[1] - N_FFT) // HOP
    idx = np.arange(n_frames)[:, None] * HOP + np.arange(N_FFT)[None, :]
    frames = x[:, idx]  # [B, n_frames, n_fft]
    n = np.arange(N_FFT)
    window = (0.5 - 0.5 * np.cos(2.0 * np.pi * n / N_FFT)).astype(np.float32)
    spec = jnp.fft.rfft(frames * window, axis=-1)  # [B, n_frames, n_fft//2+1]
    power = spec.real ** 2 + spec.imag ** 2
    # energy = sqrt(clamp(sum over freq, min=1e-10))
    energy = jnp.sqrt(jnp.clip(jnp.sum(power, axis=-1), 1e-10))
    return energy  # [B, n_frames]

def _average_by_duration(e, d):
    # d: traced integer durations for one utterance; token count is static (d.shape[0])
    cs = jnp.concatenate([jnp.zeros((1,), dtype=d.dtype), jnp.cumsum(d)])
    L = e.shape[0]
    j = jnp.arange(L)
    starts = cs[:-1][:, None]
    ends = cs[1:][:, None]
    mask = (j[None, :] >= starts) & (j[None, :] < ends)  # [n_tokens, n_frames]
    cnt = jnp.sum(mask, axis=1)
    seg_sum = jnp.sum(jnp.where(mask, e[None, :], jnp.asarray(0.0, dtype=e.dtype)), axis=1)
    safe_cnt = jnp.maximum(cnt, 1).astype(e.dtype)
    return jnp.where(cnt > 0, seg_sum / safe_cnt, jnp.asarray(0.0, dtype=e.dtype))

def setup_inputs(seed: int = 0):
    key = jax.random.key(seed)
    k1, k2, k3 = jax.random.split(key, 3)
    input_waves = jax.random.normal(k1, (8, 64000), dtype=jnp.float32)
    durations = jax.random.randint(k2, (8, 50), 0, 6)
    durations_lengths = jax.random.randint(k3, (8,), 0, 50)
    return {"input_waves": input_waves, "durations": durations, "durations_lengths": durations_lengths}

def reference(input_waves, durations, durations_lengths):
    energy = _stft_energy(input_waves)  # [B, n_frames]
    B = energy.shape[0]
    toks = [_average_by_duration(energy[b], durations[b]) for b in range(B)]
    energy_tok = jnp.stack(toks)  # [B, n_tokens] (pad_list trivial: equal lengths)
    # norm_by_average=True: divide by mean of nonzero entries of first utterance
    e0 = energy_tok[0]
    mask = (e0 != 0.0)
    cnt = jnp.maximum(jnp.sum(mask.astype(jnp.float32)), 1.0)
    avg = jnp.sum(jnp.where(mask, e0, 0.0)) / cnt
    energy_tok = energy_tok / avg
    return (energy_tok[..., None], durations_lengths)

if __name__ == "__main__":
    import jax
    _d = setup_inputs()
    print(jax.jit(kernel)(*tuple(_d.values())))

</pallas_src>

<mosaic_0001>
#map = affine_map<(d0, d1) -> (0, 0)>
module attributes {stable_mosaic.version = 14 : i64} {
  func.func @sc_kernel(%arg0: i32, %arg1: i32, %arg2: memref<8x256xf32, #tpu.memory_space<hbm>>, %arg3: memref<8x64xi32, #tpu.memory_space<hbm>>, %arg4: memref<8x64xf32, #tpu.memory_space<hbm>>, %arg5: memref<256xf32, #tpu.memory_space<vmem>>, %arg6: memref<256xf32, #tpu.memory_space<vmem>>, %arg7: memref<256xf32, #tpu.memory_space<vmem>>, %arg8: memref<64xi32, #tpu.memory_space<vmem>>, %arg9: memref<64xi32, #tpu.memory_space<vmem>>, %arg10: memref<64xf32, #tpu.memory_space<vmem>>, %arg11: memref<!tpu.dma_semaphore, #tpu.memory_space<semaphore_mem>>) attributes {dimension_semantics = [#tpu.dimension_semantics<core_parallel>, #tpu.dimension_semantics<subcore_parallel>], iteration_bounds = array<i64: 1, 16>, scalar_prefetch = 0 : i64, scratch_operands = 7 : i64, tpu.core_type = #tpu.core_type<sc_vector_subcore>, window_params = [{transform_indices = #map}, {transform_indices = #map}, {transform_indices = #map}]} {
    %mul3A = arith.constant 16 : i32
    %mul3A_0 = arith.muli %arg0, %mul3A : i32
    %add3A = arith.addi %mul3A_0, %arg1 : i32
    %lt3A = arith.constant 8 : i32
    %lt3A_1 = arith.cmpi slt, %add3A, %lt3A : i32
    %convert_element_type3A = arith.extui %lt3A_1 : i1 to i32
    %cond3A = arith.constant 0 : i32
    %cond3A_2 = arith.cmpi ne, %convert_element_type3A, %cond3A : i32
    scf.if %cond3A_2 {
      %dma_start3A = arith.constant 0 : i32
      %dma_start3A_3 = arith.constant 0 : i32
      %dma_start3A_4 = tpu.memref_slice %arg2[%dma_start3A, %dma_start3A_3] : memref<8x256xf32, #tpu.memory_space<hbm>> -> memref<1x256xf32, #tpu.memory_space<hbm>>
      %dma_start3A_5 = tpu.memref_squeeze %dma_start3A_4 : memref<1x256xf32, #tpu.memory_space<hbm>> -> memref<256xf32, #tpu.memory_space<hbm>>
      %dma_start3A_6 = arith.constant 0 : i32
      %dma_start3A_7 = tpu.memref_slice %arg2[%dma_start3A, %dma_start3A_6] : memref<8x256xf32, #tpu.memory_space<hbm>> -> memref<1x256xf32, #tpu.memory_space<hbm>>
      %dma_start3A_8 = tpu.memref_squeeze %dma_start3A_7 : memref<1x256xf32, #tpu.memory_space<hbm>> -> memref<256xf32, #tpu.memory_space<hbm>>
      tpu.enqueue_dma source(%dma_start3A_8 : memref<256xf32, #tpu.memory_space<hbm>>) target(%arg5 : memref<256xf32, #tpu.memory_space<vmem>>) target_semaphore(%arg11 : memref<!tpu.dma_semaphore, #tpu.memory_space<semaphore_mem>>)
      %dma_start3A_9 = arith.constant 0 : i32
      %dma_start3A_10 = arith.constant 0 : i32
      %dma_start3A_11 = tpu.memref_slice %arg3[%dma_start3A_9, %dma_start3A_10] : memref<8x64xi32, #tpu.memory_space<hbm>> -> memref<1x64xi32, #tpu.memory_space<hbm>>
      %dma_start3A_12 = tpu.memref_squeeze %dma_start3A_11 : memref<1x64xi32, #tpu.memory_space<hbm>> -> memref<64xi32, #tpu.memory_space<hbm>>
      %dma_start3A_13 = arith.constant 0 : i32
      %dma_start3A_14 = tpu.memref_slice %arg3[%dma_start3A_9, %dma_start3A_13] : memref<8x64xi32, #tpu.memory_space<hbm>> -> memref<1x64xi32, #tpu.memory_space<hbm>>
      %dma_start3A_15 = tpu.memref_squeeze %dma_start3A_14 : memref<1x64xi32, #tpu.memory_space<hbm>> -> memref<64xi32, #tpu.memory_space<hbm>>
      tpu.enqueue_dma source(%dma_start3A_15 : memref<64xi32, #tpu.memory_space<hbm>>) target(%arg8 : memref<64xi32, #tpu.memory_space<vmem>>) target_semaphore(%arg11 : memref<!tpu.dma_semaphore, #tpu.memory_space<semaphore_mem>>)
      %dma_start3A_16 = arith.constant 0 : i32
      %dma_start3A_17 = tpu.memref_slice %arg2[%add3A, %dma_start3A_16] : memref<8x256xf32, #tpu.memory_space<hbm>> -> memref<1x256xf32, #tpu.memory_space<hbm>>
      %dma_start3A_18 = tpu.memref_squeeze %dma_start3A_17 : memref<1x256xf32, #tpu.memory_space<hbm>> -> memref<256xf32, #tpu.memory_space<hbm>>
      %dma_start3A_19 = arith.constant 0 : i32
      %dma_start3A_20 = tpu.memref_slice %arg2[%add3A, %dma_start3A_19] : memref<8x256xf32, #tpu.memory_space<hbm>> -> memref<1x256xf32, #tpu.memory_space<hbm>>
      %dma_start3A_21 = tpu.memref_squeeze %dma_start3A_20 : memref<1x256xf32, #tpu.memory_space<hbm>> -> memref<256xf32, #tpu.memory_space<hbm>>
      tpu.enqueue_dma source(%dma_start3A_21 : memref<256xf32, #tpu.memory_space<hbm>>) target(%arg6 : memref<256xf32, #tpu.memory_space<vmem>>) target_semaphore(%arg11 : memref<!tpu.dma_semaphore, #tpu.memory_space<semaphore_mem>>)
      %dma_start3A_22 = arith.constant 0 : i32
      %dma_start3A_23 = tpu.memref_slice %arg3[%add3A, %dma_start3A_22] : memref<8x64xi32, #tpu.memory_space<hbm>> -> memref<1x64xi32, #tpu.memory_space<hbm>>
      %dma_start3A_24 = tpu.memref_squeeze %dma_start3A_23 : memref<1x64xi32, #tpu.memory_space<hbm>> -> memref<64xi32, #tpu.memory_space<hbm>>
      %dma_start3A_25 = arith.constant 0 : i32
      %dma_start3A_26 = tpu.memref_slice %arg3[%add3A, %dma_start3A_25] : memref<8x64xi32, #tpu.memory_space<hbm>> -> memref<1x64xi32, #tpu.memory_space<hbm>>
      %dma_start3A_27 = tpu.memref_squeeze %dma_start3A_26 : memref<1x64xi32, #tpu.memory_space<hbm>> -> memref<64xi32, #tpu.memory_space<hbm>>
      tpu.enqueue_dma source(%dma_start3A_27 : memref<64xi32, #tpu.memory_space<hbm>>) target(%arg9 : memref<64xi32, #tpu.memory_space<vmem>>) target_semaphore(%arg11 : memref<!tpu.dma_semaphore, #tpu.memory_space<semaphore_mem>>)
      %dma_wait3A = arith.constant 0 : i32
      %dma_wait3A_28 = arith.constant 0 : i32
      %dma_wait3A_29 = tpu.memref_slice %arg2[%dma_wait3A, %dma_wait3A_28] : memref<8x256xf32, #tpu.memory_space<hbm>> -> memref<1x256xf32, #tpu.memory_space<hbm>>
      %dma_wait3A_30 = tpu.memref_squeeze %dma_wait3A_29 : memref<1x256xf32, #tpu.memory_space<hbm>> -> memref<256xf32, #tpu.memory_space<hbm>>
      %dma_wait3A_31 = arith.constant 0 : i32
      %dma_wait3A_32 = tpu.memref_slice %arg2[%dma_wait3A, %dma_wait3A_31] : memref<8x256xf32, #tpu.memory_space<hbm>> -> memref<1x256xf32, #tpu.memory_space<hbm>>
      %dma_wait3A_33 = tpu.memref_squeeze %dma_wait3A_32 : memref<1x256xf32, #tpu.memory_space<hbm>> -> memref<256xf32, #tpu.memory_space<hbm>>
      tpu.wait_dma2 semaphore(%arg11 : memref<!tpu.dma_semaphore, #tpu.memory_space<semaphore_mem>>) src(%dma_wait3A_33 : memref<256xf32, #tpu.memory_space<hbm>>) dst(%arg5 : memref<256xf32, #tpu.memory_space<vmem>>)
      %dma_wait3A_34 = arith.constant 0 : i32
      %dma_wait3A_35 = arith.constant 0 : i32
      %dma_wait3A_36 = tpu.memref_slice %arg3[%dma_wait3A_34, %dma_wait3A_35] : memref<8x64xi32, #tpu.memory_space<hbm>> -> memref<1x64xi32, #tpu.memory_space<hbm>>
      %dma_wait3A_37 = tpu.memref_squeeze %dma_wait3A_36 : memref<1x64xi32, #tpu.memory_space<hbm>> -> memref<64xi32, #tpu.memory_space<hbm>>
      %dma_wait3A_38 = arith.constant 0 : i32
      %dma_wait3A_39 = tpu.memref_slice %arg3[%dma_wait3A_34, %dma_wait3A_38] : memref<8x64xi32, #tpu.memory_space<hbm>> -> memref<1x64xi32, #tpu.memory_space<hbm>>
      %dma_wait3A_40 = tpu.memref_squeeze %dma_wait3A_39 : memref<1x64xi32, #tpu.memory_space<hbm>> -> memref<64xi32, #tpu.memory_space<hbm>>
      tpu.wait_dma2 semaphore(%arg11 : memref<!tpu.dma_semaphore, #tpu.memory_space<semaphore_mem>>) src(%dma_wait3A_40 : memref<64xi32, #tpu.memory_space<hbm>>) dst(%arg8 : memref<64xi32, #tpu.memory_space<vmem>>)
      %dma_wait3A_41 = arith.constant 0 : i32
      %dma_wait3A_42 = tpu.memref_slice %arg2[%add3A, %dma_wait3A_41] : memref<8x256xf32, #tpu.memory_space<hbm>> -> memref<1x256xf32, #tpu.memory_space<hbm>>
      %dma_wait3A_43 = tpu.memref_squeeze %dma_wait3A_42 : memref<1x256xf32, #tpu.memory_space<hbm>> -> memref<256xf32, #tpu.memory_space<hbm>>
      %dma_wait3A_44 = arith.constant 0 : i32
      %dma_wait3A_45 = tpu.memref_slice %arg2[%add3A, %dma_wait3A_44] : memref<8x256xf32, #tpu.memory_space<hbm>> -> memref<1x256xf32, #tpu.memory_space<hbm>>
      %dma_wait3A_46 = tpu.memref_squeeze %dma_wait3A_45 : memref<1x256xf32, #tpu.memory_space<hbm>> -> memref<256xf32, #tpu.memory_space<hbm>>
      tpu.wait_dma2 semaphore(%arg11 : memref<!tpu.dma_semaphore, #tpu.memory_space<semaphore_mem>>) src(%dma_wait3A_46 : memref<256xf32, #tpu.memory_space<hbm>>) dst(%arg6 : memref<256xf32, #tpu.memory_space<vmem>>)
      %dma_wait3A_47 = arith.constant 0 : i32
      %dma_wait3A_48 = tpu.memref_slice %arg3[%add3A, %dma_wait3A_47] : memref<8x64xi32, #tpu.memory_space<hbm>> -> memref<1x64xi32, #tpu.memory_space<hbm>>
      %dma_wait3A_49 = tpu.memref_squeeze %dma_wait3A_48 : memref<1x64xi32, #tpu.memory_space<hbm>> -> memref<64xi32, #tpu.memory_space<hbm>>
      %dma_wait3A_50 = arith.constant 0 : i32
      %dma_wait3A_51 = tpu.memref_slice %arg3[%add3A, %dma_wait3A_50] : memref<8x64xi32, #tpu.memory_space<hbm>> -> memref<1x64xi32, #tpu.memory_space<hbm>>
      %dma_wait3A_52 = tpu.memref_squeeze %dma_wait3A_51 : memref<1x64xi32, #tpu.memory_space<hbm>> -> memref<64xi32, #tpu.memory_space<hbm>>
      tpu.wait_dma2 semaphore(%arg11 : memref<!tpu.dma_semaphore, #tpu.memory_space<semaphore_mem>>) src(%dma_wait3A_52 : memref<64xi32, #tpu.memory_space<hbm>>) dst(%arg9 : memref<64xi32, #tpu.memory_space<vmem>>)
      %get3A = arith.constant 0 : index
      %get3A_53 = tpu.vector_load %arg5[%get3A] {strides = array<i32>} : memref<256xf32, #tpu.memory_space<vmem>>, vector<16xf32>,
      %broadcast_in_dim3A = arith.constant true
      %broadcast_in_dim3A_54 = vector.broadcast %broadcast_in_dim3A : i1 to vector<16xi1>
      %masked_cumsum3A = tpu.scan <sum>, %get3A_53 masked %broadcast_in_dim3A_54 : vector<16xf32>, vector<16xi1> -> vector<16xf32>
      %sub3A = arith.subf %masked_cumsum3A, %get3A_53 : vector<16xf32>
      %add3A_55 = arith.constant 0.000000e+00 : f32
      %add3A_56 = vector.broadcast %add3A_55 : f32 to vector<16xf32>
      %add3A_57 = arith.addf %sub3A, %add3A_56 : vector<16xf32>
      %swap3A = arith.constant 0 : index
      %swap3A_58 = tpu.vector_load %arg7[%swap3A] {strides = array<i32>} : memref<256xf32, #tpu.memory_space<vmem>>, vector<16xf32>,
      tpu.vector_store %arg7[%swap3A], %add3A_57 {strides = array<i32>} : memref<256xf32, #tpu.memory_space<vmem>>, vector<16xf32>,
      %reduce_sum3A = arith.constant true
      %reduce_sum3A_59 = vector.broadcast %reduce_sum3A : i1 to vector<16xi1>
      %reduce_sum3A_60 = tpu.scan <sum>, %get3A_53 masked %reduce_sum3A_59 : vector<16xf32>, vector<16xi1> -> vector<16xf32>
      %reduce_sum3A_61 = vector.extract %reduce_sum3A_60[15] : f32 from vector<16xf32>
      %add3A_62 = arith.constant 0.000000e+00 : f32
      %add3A_63 = arith.addf %add3A_62, %reduce_sum3A_61 : f32
      %get3A_64 = arith.constant 16 : index
      %get3A_65 = tpu.vector_load %arg5[%get3A_64] {strides = array<i32>} : memref<256xf32, #tpu.memory_space<vmem>>, vector<16xf32>,
      %broadcast_in_dim3A_66 = arith.constant true
      %broadcast_in_dim3A_67 = vector.broadcast %broadcast_in_dim3A_66 : i1 to vector<16xi1>
      %masked_cumsum3A_68 = tpu.scan <sum>, %get3A_65 masked %broadcast_in_dim3A_67 : vector<16xf32>, vector<16xi1> -> vector<16xf32>
      %sub3A_69 = arith.subf %masked_cumsum3A_68, %get3A_65 : vector<16xf32>
      %add3A_70 = vector.broadcast %add3A_63 : f32 to vector<16xf32>
      %add3A_71 = arith.addf %sub3A_69, %add3A_70 : vector<16xf32>
      %swap3A_72 = arith.constant 16 : index
      %swap3A_73 = tpu.vector_load %arg7[%swap3A_72] {strides = array<i32>} : memref<256xf32, #tpu.memory_space<vmem>>, vector<16xf32>,
      tpu.vector_store %arg7[%swap3A_72], %add3A_71 {strides = array<i32>} : memref<256xf32, #tpu.memory_space<vmem>>, vector<16xf32>,
      %reduce_sum3A_74 = arith.constant true
      %reduce_sum3A_75 = vector.broadcast %reduce_sum3A_74 : i1 to vector<16xi1>
      %reduce_sum3A_76 = tpu.scan <sum>, %get3A_65 masked %reduce_sum3A_75 : vector<16xf32>, vector<16xi1> -> vector<16xf32>
      %reduce_sum3A_77 = vector.extract %reduce_sum3A_76[15] : f32 from vector<16xf32>
      %add3A_78 = arith.addf %add3A_63, %reduce_sum3A_77 : f32
      %get3A_79 = arith.constant 32 : index
      %get3A_80 = tpu.vector_load %arg5[%get3A_79] {strides = array<i32>} : memref<256xf32, #tpu.memory_space<vmem>>, vector<16xf32>,
      %broadcast_in_dim3A_81 = arith.constant true
      %broadcast_in_dim3A_82 = vector.broadcast %broadcast_in_dim3A_81 : i1 to vector<16xi1>
      %masked_cumsum3A_83 = tpu.scan <sum>, %get3A_80 masked %broadcast_in_dim3A_82 : vector<16xf32>, vector<16xi1> -> vector<16xf32>
      %sub3A_84 = arith.subf %masked_cumsum3A_83, %get3A_80 : vector<16xf32>
      %add3A_85 = vector.broadcast %add3A_78 : f32 to vector<16xf32>
      %add3A_86 = arith.addf %sub3A_84, %add3A_85 : vector<16xf32>
      %swap3A_87 = arith.constant 32 : index
      %swap3A_88 = tpu.vector_load %arg7[%swap3A_87] {strides = array<i32>} : memref<256xf32, #tpu.memory_space<vmem>>, vector<16xf32>,
      tpu.vector_store %arg7[%swap3A_87], %add3A_86 {strides = array<i32>} : memref<256xf32, #tpu.memory_space<vmem>>, vector<16xf32>,
      %reduce_sum3A_89 = arith.constant true
      %reduce_sum3A_90 = vector.broadcast %reduce_sum3A_89 : i1 to vector<16xi1>
      %reduce_sum3A_91 = tpu.scan <sum>, %get3A_80 masked %reduce_sum3A_90 : vector<16xf32>, vector<16xi1> -> vector<16xf32>
      %reduce_sum3A_92 = vector.extract %reduce_sum3A_91[15] : f32 from vector<16xf32>
      %add3A_93 = arith.addf %add3A_78, %reduce_sum3A_92 : f32
      %get3A_94 = arith.constant 48 : index
      %get3A_95 = tpu.vector_load %arg5[%get3A_94] {strides = array<i32>} : memref<256xf32, #tpu.memory_space<vmem>>, vector<16xf32>,
      %broadcast_in_dim3A_96 = arith.constant true
      %broadcast_in_dim3A_97 = vector.broadcast %broadcast_in_dim3A_96 : i1 to vector<16xi1>
      %masked_cumsum3A_98 = tpu.scan <sum>, %get3A_95 masked %broadcast_in_dim3A_97 : vector<16xf32>, vector<16xi1> -> vector<16xf32>
      %sub3A_99 = arith.subf %masked_cumsum3A_98, %get3A_95 : vector<16xf32>
      %add3A_100 = vector.broadcast %add3A_93 : f32 to vector<16xf32>
      %add3A_101 = arith.addf %sub3A_99, %add3A_100 : vector<16xf32>
      %swap3A_102 = arith.constant 48 : index
      %swap3A_103 = tpu.vector_load %arg7[%swap3A_102] {strides = array<i32>} : memref<256xf32, #tpu.memory_space<vmem>>, vector<16xf32>,
      tpu.vector_store %arg7[%swap3A_102], %add3A_101 {strides = array<i32>} : memref<256xf32, #tpu.memory_space<vmem>>, vector<16xf32>,
      %reduce_sum3A_104 = arith.constant true
      %reduce_sum3A_105 = vector.broadcast %reduce_sum3A_104 : i1 to vector<16xi1>
      %reduce_sum3A_106 = tpu.scan <sum>, %get3A_95 masked %reduce_sum3A_105 : vector<16xf32>, vector<16xi1> -> vector<16xf32>
      %reduce_sum3A_107 = vector.extract %reduce_sum3A_106[15] : f32 from vector<16xf32>
      %add3A_108 = arith.addf %add3A_93, %reduce_sum3A_107 : f32
      %get3A_109 = arith.constant 64 : index
      %get3A_110 = tpu.vector_load %arg5[%get3A_109] {strides = array<i32>} : memref<256xf32, #tpu.memory_space<vmem>>, vector<16xf32>,
      %broadcast_in_dim3A_111 = arith.constant true
      %broadcast_in_dim3A_112 = vector.broadcast %broadcast_in_dim3A_111 : i1 to vector<16xi1>
      %masked_cumsum3A_113 = tpu.scan <sum>, %get3A_110 masked %broadcast_in_dim3A_112 : vector<16xf32>, vector<16xi1> -> vector<16xf32>
      %sub3A_114 = arith.subf %masked_cumsum3A_113, %get3A_110 : vector<16xf32>
      %add3A_115 = vector.broadcast %add3A_108 : f32 to vector<16xf32>
      %add3A_116 = arith.addf %sub3A_114, %add3A_115 : vector<16xf32>
      %swap3A_117 = arith.constant 64 : index
      %swap3A_118 = tpu.vector_load %arg7[%swap3A_117] {strides = array<i32>} : memref<256xf32, #tpu.memory_space<vmem>>, vector<16xf32>,
      tpu.vector_store %arg7[%swap3A_117], %add3A_116 {strides = array<i32>} : memref<256xf32, #tpu.memory_space<vmem>>, vector<16xf32>,
      %reduce_sum3A_119 = arith.constant true
      %reduce_sum3A_120 = vector.broadcast %reduce_sum3A_119 : i1 to vector<16xi1>
      %reduce_sum3A_121 = tpu.scan <sum>, %get3A_110 masked %reduce_sum3A_120 : vector<16xf32>, vector<16xi1> -> vector<16xf32>
      %reduce_sum3A_122 = vector.extract %reduce_sum3A_121[15] : f32 from vector<16xf32>
      %add3A_123 = arith.addf %add3A_108, %reduce_sum3A_122 : f32
      %get3A_124 = arith.constant 80 : index
      %get3A_125 = tpu.vector_load %arg5[%get3A_124] {strides = array<i32>} : memref<256xf32, #tpu.memory_space<vmem>>, vector<16xf32>,
      %broadcast_in_dim3A_126 = arith.constant true
      %broadcast_in_dim3A_127 = vector.broadcast %broadcast_in_dim3A_126 : i1 to vector<16xi1>
      %masked_cumsum3A_128 = tpu.scan <sum>, %get3A_125 masked %broadcast_in_dim3A_127 : vector<16xf32>, vector<16xi1> -> vector<16xf32>
      %sub3A_129 = arith.subf %masked_cumsum3A_128, %get3A_125 : vector<16xf32>
      %add3A_130 = vector.broadcast %add3A_123 : f32 to vector<16xf32>
      %add3A_131 = arith.addf %sub3A_129, %add3A_130 : vector<16xf32>
      %swap3A_132 = arith.constant 80 : index
      %swap3A_133 = tpu.vector_load %arg7[%swap3A_132] {strides = array<i32>} : memref<256xf32, #tpu.memory_space<vmem>>, vector<16xf32>,
      tpu.vector_store %arg7[%swap3A_132], %add3A_131 {strides = array<i32>} : memref<256xf32, #tpu.memory_space<vmem>>, vector<16xf32>,
      %reduce_sum3A_134 = arith.constant true
      %reduce_sum3A_135 = vector.broadcast %reduce_sum3A_134 : i1 to vector<16xi1>
      %reduce_sum3A_136 = tpu.scan <sum>, %get3A_125 masked %reduce_sum3A_135 : vector<16xf32>, vector<16xi1> -> vector<16xf32>
      %reduce_sum3A_137 = vector.extract %reduce_sum3A_136[15] : f32 from vector<16xf32>
      %add3A_138 = arith.addf %add3A_123, %reduce_sum3A_137 : f32
      %get3A_139 = arith.constant 96 : index
      %get3A_140 = tpu.vector_load %arg5[%get3A_139] {strides = array<i32>} : memref<256xf32, #tpu.memory_space<vmem>>, vector<16xf32>,
      %broadcast_in_dim3A_141 = arith.constant true
      %broadcast_in_dim3A_142 = vector.broadcast %broadcast_in_dim3A_141 : i1 to vector<16xi1>
      %masked_cumsum3A_143 = tpu.scan <sum>, %get3A_140 masked %broadcast_in_dim3A_142 : vector<16xf32>, vector<16xi1> -> vector<16xf32>
      %sub3A_144 = arith.subf %masked_cumsum3A_143, %get3A_140 : vector<16xf32>
      %add3A_145 = vector.broadcast %add3A_138 : f32 to vector<16xf32>
      %add3A_146 = arith.addf %sub3A_144, %add3A_145 : vector<16xf32>
      %swap3A_147 = arith.constant 96 : index
      %swap3A_148 = tpu.vector_load %arg7[%swap3A_147] {strides = array<i32>} : memref<256xf32, #tpu.memory_space<vmem>>, vector<16xf32>,
      tpu.vector_store %arg7[%swap3A_147], %add3A_146 {strides = array<i32>} : memref<256xf32, #tpu.memory_space<vmem>>, vector<16xf32>,
      %reduce_sum3A_149 = arith.constant true
      %reduce_sum3A_150 = vector.broadcast %reduce_sum3A_149 : i1 to vector<16xi1>
      %reduce_sum3A_151 = tpu.scan <sum>, %get3A_140 masked %reduce_sum3A_150 : vector<16xf32>, vector<16xi1> -> vector<16xf32>
      %reduce_sum3A_152 = vector.extract %reduce_sum3A_151[15] : f32 from vector<16xf32>
      %add3A_153 = arith.addf %add3A_138, %reduce_sum3A_152 : f32
      %get3A_154 = arith.constant 112 : index
      %get3A_155 = tpu.vector_load %arg5[%get3A_154] {strides = array<i32>} : memref<256xf32, #tpu.memory_space<vmem>>, vector<16xf32>,
      %broadcast_in_dim3A_156 = arith.constant true
      %broadcast_in_dim3A_157 = vector.broadcast %broadcast_in_dim3A_156 : i1 to vector<16xi1>
      %masked_cumsum3A_158 = tpu.scan <sum>, %get3A_155 masked %broadcast_in_dim3A_157 : vector<16xf32>, vector<16xi1> -> vector<16xf32>
      %sub3A_159 = arith.subf %masked_cumsum3A_158, %get3A_155 : vector<16xf32>
      %add3A_160 = vector.broadcast %add3A_153 : f32 to vector<16xf32>
      %add3A_161 = arith.addf %sub3A_159, %add3A_160 : vector<16xf32>
      %swap3A_162 = arith.constant 112 : index
      %swap3A_163 = tpu.vector_load %arg7[%swap3A_162] {strides = array<i32>} : memref<256xf32, #tpu.memory_space<vmem>>, vector<16xf32>,
      tpu.vector_store %arg7[%swap3A_162], %add3A_161 {strides = array<i32>} : memref<256xf32, #tpu.memory_space<vmem>>, vector<16xf32>,
      %reduce_sum3A_164 = arith.constant true
      %reduce_sum3A_165 = vector.broadcast %reduce_sum3A_164 : i1 to vector<16xi1>
      %reduce_sum3A_166 = tpu.scan <sum>, %get3A_155 masked %reduce_sum3A_165 : vector<16xf32>, vector<16xi1> -> vector<16xf32>
      %reduce_sum3A_167 = vector.extract %reduce_sum3A_166[15] : f32 from vector<16xf32>
      %add3A_168 = arith.addf %add3A_153, %reduce_sum3A_167 : f32
      %get3A_169 = arith.constant 128 : index
      %get3A_170 = tpu.vector_load %arg5[%get3A_169] {strides = array<i32>} : memref<256xf32, #tpu.memory_space<vmem>>, vector<16xf32>,
      %broadcast_in_dim3A_171 = arith.constant true
      %broadcast_in_dim3A_172 = vector.broadcast %broadcast_in_dim3A_171 : i1 to vector<16xi1>
      %masked_cumsum3A_173 = tpu.scan <sum>, %get3A_170 masked %broadcast_in_dim3A_172 : vector<16xf32>, vector<16xi1> -> vector<16xf32>
      %sub3A_174 = arith.subf %masked_cumsum3A_173, %get3A_170 : vector<16xf32>
      %add3A_175 = vector.broadcast %add3A_168 : f32 to vector<16xf32>
      %add3A_176 = arith.addf %sub3A_174, %add3A_175 : vector<16xf32>
      %swap3A_177 = arith.constant 128 : index
      %swap3A_178 = tpu.vector_load %arg7[%swap3A_177] {strides = array<i32>} : memref<256xf32, #tpu.memory_space<vmem>>, vector<16xf32>,
      tpu.vector_store %arg7[%swap3A_177], %add3A_176 {strides = array<i32>} : memref<256xf32, #tpu.memory_space<vmem>>, vector<16xf32>,
      %reduce_sum3A_179 = arith.constant true
      %reduce_sum3A_180 = vector.broadcast %reduce_sum3A_179 : i1 to vector<16xi1>
      %reduce_sum3A_181 = tpu.scan <sum>, %get3A_170 masked %reduce_sum3A_180 : vector<16xf32>, vector<16xi1> -> vector<16xf32>
      %reduce_sum3A_182 = vector.extract %reduce_sum3A_181[15] : f32 from vector<16xf32>
      %add3A_183 = arith.addf %add3A_168, %reduce_sum3A_182 : f32
      %get3A_184 = arith.constant 144 : index
      %get3A_185 = tpu.vector_load %arg5[%get3A_184] {strides = array<i32>} : memref<256xf32, #tpu.memory_space<vmem>>, vector<16xf32>,
      %broadcast_in_dim3A_186 = arith.constant true
      %broadcast_in_dim3A_187 = vector.broadcast %broadcast_in_dim3A_186 : i1 to vector<16xi1>
      %masked_cumsum3A_188 = tpu.scan <sum>, %get3A_185 masked %broadcast_in_dim3A_187 : vector<16xf32>, vector<16xi1> -> vector<16xf32>
      %sub3A_189 = arith.subf %masked_cumsum3A_188, %get3A_185 : vector<16xf32>
      %add3A_190 = vector.broadcast %add3A_183 : f32 to vector<16xf32>
      %add3A_191 = arith.addf %sub3A_189, %add3A_190 : vector<16xf32>
      %swap3A_192 = arith.constant 144 : index
      %swap3A_193 = tpu.vector_load %arg7[%swap3A_192] {strides = array<i32>} : memref<256xf32, #tpu.memory_space<vmem>>, vector<16xf32>,
      tpu.vector_store %arg7[%swap3A_192], %add3A_191 {strides = array<i32>} : memref<256xf32, #tpu.memory_space<vmem>>, vector<16xf32>,
      %reduce_sum3A_194 = arith.constant true
      %reduce_sum3A_195 = vector.broadcast %reduce_sum3A_194 : i1 to vector<16xi1>
      %reduce_sum3A_196 = tpu.scan <sum>, %get3A_185 masked %reduce_sum3A_195 : vector<16xf32>, vector<16xi1> -> vector<16xf32>
      %reduce_sum3A_197 = vector.extract %reduce_sum3A_196[15] : f32 from vector<16xf32>
      %add3A_198 = arith.addf %add3A_183, %reduce_sum3A_197 : f32
      %get3A_199 = arith.constant 160 : index
      %get3A_200 = tpu.vector_load %arg5[%get3A_199] {strides = array<i32>} : memref<256xf32, #tpu.memory_space<vmem>>, vector<16xf32>,
      %broadcast_in_dim3A_201 = arith.constant true
      %broadcast_in_dim3A_202 = vector.broadcast %broadcast_in_dim3A_201 : i1 to vector<16xi1>
      %masked_cumsum3A_203 = tpu.scan <sum>, %get3A_200 masked %broadcast_in_dim3A_202 : vector<16xf32>, vector<16xi1> -> vector<16xf32>
      %sub3A_204 = arith.subf %masked_cumsum3A_203, %get3A_200 : vector<16xf32>
      %add3A_205 = vector.broadcast %add3A_198 : f32 to vector<16xf32>
      %add3A_206 = arith.addf %sub3A_204, %add3A_205 : vector<16xf32>
      %swap3A_207 = arith.constant 160 : index
      %swap3A_208 = tpu.vector_load %arg7[%swap3A_207] {strides = array<i32>} : memref<256xf32, #tpu.memory_space<vmem>>, vector<16xf32>,
      tpu.vector_store %arg7[%swap3A_207], %add3A_206 {strides = array<i32>} : memref<256xf32, #tpu.memory_space<vmem>>, vector<16xf32>,
      %reduce_sum3A_209 = arith.constant true
      %reduce_sum3A_210 = vector.broadcast %reduce_sum3A_209 : i1 to vector<16xi1>
      %reduce_sum3A_211 = tpu.scan <sum>, %get3A_200 masked %reduce_sum3A_210 : vector<16xf32>, vector<16xi1> -> vector<16xf32>
      %reduce_sum3A_212 = vector.extract %reduce_sum3A_211[15] : f32 from vector<16xf32>
      %add3A_213 = arith.addf %add3A_198, %reduce_sum3A_212 : f32
      %get3A_214 = arith.constant 176 : index
      %get3A_215 = tpu.vector_load %arg5[%get3A_214] {strides = array<i32>} : memref<256xf32, #tpu.memory_space<vmem>>, vector<16xf32>,
      %broadcast_in_dim3A_216 = arith.constant true
      %broadcast_in_dim3A_217 = vector.broadcast %broadcast_in_dim3A_216 : i1 to vector<16xi1>
      %masked_cumsum3A_218 = tpu.scan <sum>, %get3A_215 masked %broadcast_in_dim3A_217 : vector<16xf32>, vector<16xi1> -> vector<16xf32>
      %sub3A_219 = arith.subf %masked_cumsum3A_218, %get3A_215 : vector<16xf32>
      %add3A_220 = vector.broadcast %add3A_213 : f32 to vector<16xf32>
      %add3A_221 = arith.addf %sub3A_219, %add3A_220 : vector<16xf32>
      %swap3A_222 = arith.constant 176 : index
      %swap3A_223 = tpu.vector_load %arg7[%swap3A_222] {strides = array<i32>} : memref<256xf32, #tpu.memory_space<vmem>>, vector<16xf32>,
      tpu.vector_store %arg7[%swap3A_222], %add3A_221 {strides = array<i32>} : memref<256xf32, #tpu.memory_space<vmem>>, vector<16xf32>,
      %reduce_sum3A_224 = arith.constant true
      %reduce_sum3A_225 = vector.broadcast %reduce_sum3A_224 : i1 to vector<16xi1>
      %reduce_sum3A_226 = tpu.scan <sum>, %get3A_215 masked %reduce_sum3A_225 : vector<16xf32>, vector<16xi1> -> vector<16xf32>
      %reduce_sum3A_227 = vector.extract %reduce_sum3A_226[15] : f32 from vector<16xf32>
      %add3A_228 = arith.addf %add3A_213, %reduce_sum3A_227 : f32
      %get3A_229 = arith.constant 192 : index
      %get3A_230 = tpu.vector_load %arg5[%get3A_229] {strides = array<i32>} : memref<256xf32, #tpu.memory_space<vmem>>, vector<16xf32>,
      %broadcast_in_dim3A_231 = arith.constant true
      %broadcast_in_dim3A_232 = vector.broadcast %broadcast_in_dim3A_231 : i1 to vector<16xi1>
      %masked_cumsum3A_233 = tpu.scan <sum>, %get3A_230 masked %broadcast_in_dim3A_232 : vector<16xf32>, vector<16xi1> -> vector<16xf32>
      %sub3A_234 = arith.subf %masked_cumsum3A_233, %get3A_230 : vector<16xf32>
      %add3A_235 = vector.broadcast %add3A_228 : f32 to vector<16xf32>
      %add3A_236 = arith.addf %sub3A_234, %add3A_235 : vector<16xf32>
      %swap3A_237 = arith.constant 192 : index
      %swap3A_238 = tpu.vector_load %arg7[%swap3A_237] {strides = array<i32>} : memref<256xf32, #tpu.memory_space<vmem>>, vector<16xf32>,
      tpu.vector_store %arg7[%swap3A_237], %add3A_236 {strides = array<i32>} : memref<256xf32, #tpu.memory_space<vmem>>, vector<16xf32>,
      %reduce_sum3A_239 = arith.constant true
      %reduce_sum3A_240 = vector.broadcast %reduce_sum3A_239 : i1 to vector<16xi1>
      %reduce_sum3A_241 = tpu.scan <sum>, %get3A_230 masked %reduce_sum3A_240 : vector<16xf32>, vector<16xi1> -> vector<16xf32>
      %reduce_sum3A_242 = vector.extract %reduce_sum3A_241[15] : f32 from vector<16xf32>
      %add3A_243 = arith.addf %add3A_228, %reduce_sum3A_242 : f32
      %get3A_244 = arith.constant 208 : index
      %get3A_245 = tpu.vector_load %arg5[%get3A_244] {strides = array<i32>} : memref<256xf32, #tpu.memory_space<vmem>>, vector<16xf32>,
      %broadcast_in_dim3A_246 = arith.constant true
      %broadcast_in_dim3A_247 = vector.broadcast %broadcast_in_dim3A_246 : i1 to vector<16xi1>
      %masked_cumsum3A_248 = tpu.scan <sum>, %get3A_245 masked %broadcast_in_dim3A_247 : vector<16xf32>, vector<16xi1> -> vector<16xf32>
      %sub3A_249 = arith.subf %masked_cumsum3A_248, %get3A_245 : vector<16xf32>
      %add3A_250 = vector.broadcast %add3A_243 : f32 to vector<16xf32>
      %add3A_251 = arith.addf %sub3A_249, %add3A_250 : vector<16xf32>
      %swap3A_252 = arith.constant 208 : index
      %swap3A_253 = tpu.vector_load %arg7[%swap3A_252] {strides = array<i32>} : memref<256xf32, #tpu.memory_space<vmem>>, vector<16xf32>,
      tpu.vector_store %arg7[%swap3A_252], %add3A_251 {strides = array<i32>} : memref<256xf32, #tpu.memory_space<vmem>>, vector<16xf32>,
      %reduce_sum3A_254 = arith.constant true
      %reduce_sum3A_255 = vector.broadcast %reduce_sum3A_254 : i1 to vector<16xi1>
      %reduce_sum3A_256 = tpu.scan <sum>, %get3A_245 masked %reduce_sum3A_255 : vector<16xf32>, vector<16xi1> -> vector<16xf32>
      %reduce_sum3A_257 = vector.extract %reduce_sum3A_256[15] : f32 from vector<16xf32>
      %add3A_258 = arith.addf %add3A_243, %reduce_sum3A_257 : f32
      %get3A_259 = arith.constant 224 : index
      %get3A_260 = tpu.vector_load %arg5[%get3A_259] {strides = array<i32>} : memref<256xf32, #tpu.memory_space<vmem>>, vector<16xf32>,
      %broadcast_in_dim3A_261 = arith.constant true
      %broadcast_in_dim3A_262 = vector.broadcast %broadcast_in_dim3A_261 : i1 to vector<16xi1>
      %masked_cumsum3A_263 = tpu.scan <sum>, %get3A_260 masked %broadcast_in_dim3A_262 : vector<16xf32>, vector<16xi1> -> vector<16xf32>
      %sub3A_264 = arith.subf %masked_cumsum3A_263, %get3A_260 : vector<16xf32>
      %add3A_265 = vector.broadcast %add3A_258 : f32 to vector<16xf32>
      %add3A_266 = arith.addf %sub3A_264, %add3A_265 : vector<16xf32>
      %swap3A_267 = arith.constant 224 : index
      %swap3A_268 = tpu.vector_load %arg7[%swap3A_267] {strides = array<i32>} : memref<256xf32, #tpu.memory_space<vmem>>, vector<16xf32>,
      tpu.vector_store %arg7[%swap3A_267], %add3A_266 {strides = array<i32>} : memref<256xf32, #tpu.memory_space<vmem>>, vector<16xf32>,
      %reduce_sum3A_269 = arith.constant true
      %reduce_sum3A_270 = vector.broadcast %reduce_sum3A_269 : i1 to vector<16xi1>
      %reduce_sum3A_271 = tpu.scan <sum>, %get3A_260 masked %reduce_sum3A_270 : vector<16xf32>, vector<16xi1> -> vector<16xf32>
      %reduce_sum3A_272 = vector.extract %reduce_sum3A_271[15] : f32 from vector<16xf32>
      %add3A_273 = arith.addf %add3A_258, %reduce_sum3A_272 : f32
      %get3A_274 = arith.constant 240 : index
      %get3A_275 = tpu.vector_load %arg5[%get3A_274] {strides = array<i32>} : memref<256xf32, #tpu.memory_space<vmem>>, vector<16xf32>,
      %broadcast_in_dim3A_276 = arith.constant true
      %broadcast_in_dim3A_277 = vector.broadcast %broadcast_in_dim3A_276 : i1 to vector<16xi1>
      %masked_cumsum3A_278 = tpu.scan <sum>, %get3A_275 masked %broadcast_in_dim3A_277 : vector<16xf32>, vector<16xi1> -> vector<16xf32>
      %sub3A_279 = arith.subf %masked_cumsum3A_278, %get3A_275 : vector<16xf32>
      %add3A_280 = vector.broadcast %add3A_273 : f32 to vector<16xf32>
      %add3A_281 = arith.addf %sub3A_279, %add3A_280 : vector<16xf32>
      %swap3A_282 = arith.constant 240 : index
      %swap3A_283 = tpu.vector_load %arg7[%swap3A_282] {strides = array<i32>} : memref<256xf32, #tpu.memory_space<vmem>>, vector<16xf32>,
      tpu.vector_store %arg7[%swap3A_282], %add3A_281 {strides = array<i32>} : memref<256xf32, #tpu.memory_space<vmem>>, vector<16xf32>,
      %reduce_sum3A_284 = arith.constant true
      %reduce_sum3A_285 = vector.broadcast %reduce_sum3A_284 : i1 to vector<16xi1>
      %reduce_sum3A_286 = tpu.scan <sum>, %get3A_275 masked %reduce_sum3A_285 : vector<16xf32>, vector<16xi1> -> vector<16xf32>
      %reduce_sum3A_287 = vector.extract %reduce_sum3A_286[15] : f32 from vector<16xf32>
      %add3A_288 = arith.addf %add3A_273, %reduce_sum3A_287 : f32
      %get3A_289 = arith.constant 0 : index
      %get3A_290 = tpu.vector_load %arg8[%get3A_289] {strides = array<i32>} : memref<64xi32, #tpu.memory_space<vmem>>, vector<16xi32>,
      %broadcast_in_dim3A_291 = arith.constant true
      %broadcast_in_dim3A_292 = vector.broadcast %broadcast_in_dim3A_291 : i1 to vector<16xi1>
      %masked_cumsum3A_293 = tpu.scan <sum>, %get3A_290 masked %broadcast_in_dim3A_292 : vector<16xi32>, vector<16xi1> -> vector<16xi32>
      %add3A_294 = arith.constant 0 : i32
      %add3A_295 = vector.broadcast %add3A_294 : i32 to vector<16xi32>
      %add3A_296 = arith.addi %masked_cumsum3A_293, %add3A_295 : vector<16xi32>
      %sub3A_297 = arith.subi %add3A_296, %get3A_290 : vector<16xi32>
      %reduce_sum3A_298 = arith.constant true
      %reduce_sum3A_299 = vector.broadcast %reduce_sum3A_298 : i1 to vector<16xi1>
      %reduce_sum3A_300 = tpu.scan <sum>, %get3A_290 masked %reduce_sum3A_299 : vector<16xi32>, vector<16xi1> -> vector<16xi32>
      %reduce_sum3A_301 = vector.extract %reduce_sum3A_300[15] : i32 from vector<16xi32>
      %add3A_302 = arith.constant 0 : i32
      %add3A_303 = arith.addi %add3A_302, %reduce_sum3A_301 : i32
      %gather3A = tpu.vector_load_idx %arg7[%add3A_296] : memref<256xf32, #tpu.memory_space<vmem>>[vector<16xi32>], vector<16xf32>,
      %gather3A_304 = tpu.vector_load_idx %arg7[%sub3A_297] : memref<256xf32, #tpu.memory_space<vmem>>[vector<16xi32>], vector<16xf32>,
      %convert_element_type3A_305 = arith.sitofp %get3A_290 : vector<16xi32> to vector<16xf32>
      %gt3A = arith.constant 0 : i32
      %gt3A_306 = vector.broadcast %gt3A : i32 to vector<16xi32>
      %gt3A_307 = arith.cmpi sgt, %get3A_290, %gt3A_306 : vector<16xi32>
      %sub3A_308 = arith.subf %gather3A, %gather3A_304 : vector<16xf32>
      %div3A = arith.divf %sub3A_308, %convert_element_type3A_305 : vector<16xf32>
      %jit3A = arith.constant 0.000000e+00 : f32
      %broadcast_in_dim3A_309 = vector.broadcast %jit3A : f32 to vector<16xf32>
      %select_n3A = arith.select %gt3A_307, %div3A, %broadcast_in_dim3A_309 : vector<16xi1>, vector<16xf32>
      %swap3A_310 = arith.constant 0 : index
      %swap3A_311 = tpu.vector_load %arg10[%swap3A_310] {strides = array<i32>} : memref<64xf32, #tpu.memory_space<vmem>>, vector<16xf32>,
      tpu.vector_store %arg10[%swap3A_310], %select_n3A {strides = array<i32>} : memref<64xf32, #tpu.memory_space<vmem>>, vector<16xf32>,
      %get3A_312 = arith.constant 16 : index
      %get3A_313 = tpu.vector_load %arg8[%get3A_312] {strides = array<i32>} : memref<64xi32, #tpu.memory_space<vmem>>, vector<16xi32>,
      %broadcast_in_dim3A_314 = arith.constant true
      %broadcast_in_dim3A_315 = vector.broadcast %broadcast_in_dim3A_314 : i1 to vector<16xi1>
      %masked_cumsum3A_316 = tpu.scan <sum>, %get3A_313 masked %broadcast_in_dim3A_315 : vector<16xi32>, vector<16xi1> -> vector<16xi32>
      %add3A_317 = vector.broadcast %add3A_303 : i32 to vector<16xi32>
      %add3A_318 = arith.addi %masked_cumsum3A_316, %add3A_317 : vector<16xi32>
      %sub3A_319 = arith.subi %add3A_318, %get3A_313 : vector<16xi32>
      %reduce_sum3A_320 = arith.constant true
      %reduce_sum3A_321 = vector.broadcast %reduce_sum3A_320 : i1 to vector<16xi1>
      %reduce_sum3A_322 = tpu.scan <sum>, %get3A_313 masked %reduce_sum3A_321 : vector<16xi32>, vector<16xi1> -> vector<16xi32>
      %reduce_sum3A_323 = vector.extract %reduce_sum3A_322[15] : i32 from vector<16xi32>
      %add3A_324 = arith.addi %add3A_303, %reduce_sum3A_323 : i32
      %gather3A_325 = tpu.vector_load_idx %arg7[%add3A_318] : memref<256xf32, #tpu.memory_space<vmem>>[vector<16xi32>], vector<16xf32>,
      %gather3A_326 = tpu.vector_load_idx %arg7[%sub3A_319] : memref<256xf32, #tpu.memory_space<vmem>>[vector<16xi32>], vector<16xf32>,
      %convert_element_type3A_327 = arith.sitofp %get3A_313 : vector<16xi32> to vector<16xf32>
      %gt3A_328 = arith.constant 0 : i32
      %gt3A_329 = vector.broadcast %gt3A_328 : i32 to vector<16xi32>
      %gt3A_330 = arith.cmpi sgt, %get3A_313, %gt3A_329 : vector<16xi32>
      %sub3A_331 = arith.subf %gather3A_325, %gather3A_326 : vector<16xf32>
      %div3A_332 = arith.divf %sub3A_331, %convert_element_type3A_327 : vector<16xf32>
      %jit3A_333 = arith.constant 0.000000e+00 : f32
      %broadcast_in_dim3A_334 = vector.broadcast %jit3A_333 : f32 to vector<16xf32>
      %select_n3A_335 = arith.select %gt3A_330, %div3A_332, %broadcast_in_dim3A_334 : vector<16xi1>, vector<16xf32>
      %swap3A_336 = arith.constant 16 : index
      %swap3A_337 = tpu.vector_load %arg10[%swap3A_336] {strides = array<i32>} : memref<64xf32, #tpu.memory_space<vmem>>, vector<16xf32>,
      tpu.vector_store %arg10[%swap3A_336], %select_n3A_335 {strides = array<i32>} : memref<64xf32, #tpu.memory_space<vmem>>, vector<16xf32>,
      %get3A_338 = arith.constant 32 : index
      %get3A_339 = tpu.vector_load %arg8[%get3A_338] {strides = array<i32>} : memref<64xi32, #tpu.memory_space<vmem>>, vector<16xi32>,
      %broadcast_in_dim3A_340 = arith.constant true
      %broadcast_in_dim3A_341 = vector.broadcast %broadcast_in_dim3A_340 : i1 to vector<16xi1>
      %masked_cumsum3A_342 = tpu.scan <sum>, %get3A_339 masked %broadcast_in_dim3A_341 : vector<16xi32>, vector<16xi1> -> vector<16xi32>
      %add3A_343 = vector.broadcast %add3A_324 : i32 to vector<16xi32>
      %add3A_344 = arith.addi %masked_cumsum3A_342, %add3A_343 : vector<16xi32>
      %sub3A_345 = arith.subi %add3A_344, %get3A_339 : vector<16xi32>
      %reduce_sum3A_346 = arith.constant true
      %reduce_sum3A_347 = vector.broadcast %reduce_sum3A_346 : i1 to vector<16xi1>
      %reduce_sum3A_348 = tpu.scan <sum>, %get3A_339 masked %reduce_sum3A_347 : vector<16xi32>, vector<16xi1> -> vector<16xi32>
      %reduce_sum3A_349 = vector.extract %reduce_sum3A_348[15] : i32 from vector<16xi32>
      %add3A_350 = arith.addi %add3A_324, %reduce_sum3A_349 : i32
      %gather3A_351 = tpu.vector_load_idx %arg7[%add3A_344] : memref<256xf32, #tpu.memory_space<vmem>>[vector<16xi32>], vector<16xf32>,
      %gather3A_352 = tpu.vector_load_idx %arg7[%sub3A_345] : memref<256xf32, #tpu.memory_space<vmem>>[vector<16xi32>], vector<16xf32>,
      %convert_element_type3A_353 = arith.sitofp %get3A_339 : vector<16xi32> to vector<16xf32>
      %gt3A_354 = arith.constant 0 : i32
      %gt3A_355 = vector.broadcast %gt3A_354 : i32 to vector<16xi32>
      %gt3A_356 = arith.cmpi sgt, %get3A_339, %gt3A_355 : vector<16xi32>
      %sub3A_357 = arith.subf %gather3A_351, %gather3A_352 : vector<16xf32>
      %div3A_358 = arith.divf %sub3A_357, %convert_element_type3A_353 : vector<16xf32>
      %jit3A_359 = arith.constant 0.000000e+00 : f32
      %broadcast_in_dim3A_360 = vector.broadcast %jit3A_359 : f32 to vector<16xf32>
      %select_n3A_361 = arith.select %gt3A_356, %div3A_358, %broadcast_in_dim3A_360 : vector<16xi1>, vector<16xf32>
      %swap3A_362 = arith.constant 32 : index
      %swap3A_363 = tpu.vector_load %arg10[%swap3A_362] {strides = array<i32>} : memref<64xf32, #tpu.memory_space<vmem>>, vector<16xf32>,
      tpu.vector_store %arg10[%swap3A_362], %select_n3A_361 {strides = array<i32>} : memref<64xf32, #tpu.memory_space<vmem>>, vector<16xf32>,
      %get3A_364 = arith.constant 48 : index
      %get3A_365 = tpu.vector_load %arg8[%get3A_364] {strides = array<i32>} : memref<64xi32, #tpu.memory_space<vmem>>, vector<16xi32>,
      %broadcast_in_dim3A_366 = arith.constant true
      %broadcast_in_dim3A_367 = vector.broadcast %broadcast_in_dim3A_366 : i1 to vector<16xi1>
      %masked_cumsum3A_368 = tpu.scan <sum>, %get3A_365 masked %broadcast_in_dim3A_367 : vector<16xi32>, vector<16xi1> -> vector<16xi32>
      %add3A_369 = vector.broadcast %add3A_350 : i32 to vector<16xi32>
      %add3A_370 = arith.addi %masked_cumsum3A_368, %add3A_369 : vector<16xi32>
      %sub3A_371 = arith.subi %add3A_370, %get3A_365 : vector<16xi32>
      %reduce_sum3A_372 = arith.constant true
      %reduce_sum3A_373 = vector.broadcast %reduce_sum3A_372 : i1 to vector<16xi1>
      %reduce_sum3A_374 = tpu.scan <sum>, %get3A_365 masked %reduce_sum3A_373 : vector<16xi32>, vector<16xi1> -> vector<16xi32>
      %reduce_sum3A_375 = vector.extract %reduce_sum3A_374[15] : i32 from vector<16xi32>
      %add3A_376 = arith.addi %add3A_350, %reduce_sum3A_375 : i32
      %gather3A_377 = tpu.vector_load_idx %arg7[%add3A_370] : memref<256xf32, #tpu.memory_space<vmem>>[vector<16xi32>], vector<16xf32>,
      %gather3A_378 = tpu.vector_load_idx %arg7[%sub3A_371] : memref<256xf32, #tpu.memory_space<vmem>>[vector<16xi32>], vector<16xf32>,
      %convert_element_type3A_379 = arith.sitofp %get3A_365 : vector<16xi32> to vector<16xf32>
      %gt3A_380 = arith.constant 0 : i32
      %gt3A_381 = vector.broadcast %gt3A_380 : i32 to vector<16xi32>
      %gt3A_382 = arith.cmpi sgt, %get3A_365, %gt3A_381 : vector<16xi32>
      %sub3A_383 = arith.subf %gather3A_377, %gather3A_378 : vector<16xf32>
      %div3A_384 = arith.divf %sub3A_383, %convert_element_type3A_379 : vector<16xf32>
      %jit3A_385 = arith.constant 0.000000e+00 : f32
      %broadcast_in_dim3A_386 = vector.broadcast %jit3A_385 : f32 to vector<16xf32>
      %select_n3A_387 = arith.select %gt3A_382, %div3A_384, %broadcast_in_dim3A_386 : vector<16xi1>, vector<16xf32>
      %swap3A_388 = arith.constant 48 : index
      %swap3A_389 = tpu.vector_load %arg10[%swap3A_388] {strides = array<i32>} : memref<64xf32, #tpu.memory_space<vmem>>, vector<16xf32>,
      tpu.vector_store %arg10[%swap3A_388], %select_n3A_387 {strides = array<i32>} : memref<64xf32, #tpu.memory_space<vmem>>, vector<16xf32>,
      %broadcast_in_dim3A_390 = arith.constant 0.000000e+00 : f32
      %broadcast_in_dim3A_391 = vector.broadcast %broadcast_in_dim3A_390 : f32 to vector<16xf32>
      %broadcast_in_dim3A_392 = arith.constant 0.000000e+00 : f32
      %broadcast_in_dim3A_393 = vector.broadcast %broadcast_in_dim3A_392 : f32 to vector<16xf32>
      %get3A_394 = arith.constant 0 : index
      %get3A_395 = tpu.vector_load %arg10[%get3A_394] {strides = array<i32>} : memref<64xf32, #tpu.memory_space<vmem>>, vector<16xf32>,
      %add3A_396 = arith.addf %broadcast_in_dim3A_391, %get3A_395 : vector<16xf32>
      %ne3A = arith.constant 0.000000e+00 : f32
      %ne3A_397 = vector.broadcast %ne3A : f32 to vector<16xf32>
      %ne3A_398 = arith.cmpf one, %get3A_395, %ne3A_397 : vector<16xf32>
      %convert_element_type3A_399 = arith.extui %ne3A_398 : vector<16xi1> to vector<16xi32>
      %convert_element_type3A_400 = arith.sitofp %convert_element_type3A_399 : vector<16xi32> to vector<16xf32>
      %add3A_401 = arith.addf %broadcast_in_dim3A_393, %convert_element_type3A_400 : vector<16xf32>
      %get3A_402 = arith.constant 16 : index
      %get3A_403 = tpu.vector_load %arg10[%get3A_402] {strides = array<i32>} : memref<64xf32, #tpu.memory_space<vmem>>, vector<16xf32>,
      %add3A_404 = arith.addf %add3A_396, %get3A_403 : vector<16xf32>
      %ne3A_405 = arith.constant 0.000000e+00 : f32
      %ne3A_406 = vector.broadcast %ne3A_405 : f32 to vector<16xf32>
      %ne3A_407 = arith.cmpf one, %get3A_403, %ne3A_406 : vector<16xf32>
      %convert_element_type3A_408 = arith.extui %ne3A_407 : vector<16xi1> to vector<16xi32>
      %convert_element_type3A_409 = arith.sitofp %convert_element_type3A_408 : vector<16xi32> to vector<16xf32>
      %add3A_410 = arith.addf %add3A_401, %convert_element_type3A_409 : vector<16xf32>
      %get3A_411 = arith.constant 32 : index
      %get3A_412 = tpu.vector_load %arg10[%get3A_411] {strides = array<i32>} : memref<64xf32, #tpu.memory_space<vmem>>, vector<16xf32>,
      %add3A_413 = arith.addf %add3A_404, %get3A_412 : vector<16xf32>
      %ne3A_414 = arith.constant 0.000000e+00 : f32
      %ne3A_415 = vector.broadcast %ne3A_414 : f32 to vector<16xf32>
      %ne3A_416 = arith.cmpf one, %get3A_412, %ne3A_415 : vector<16xf32>
      %convert_element_type3A_417 = arith.extui %ne3A_416 : vector<16xi1> to vector<16xi32>
      %convert_element_type3A_418 = arith.sitofp %convert_element_type3A_417 : vector<16xi32> to vector<16xf32>
      %add3A_419 = arith.addf %add3A_410, %convert_element_type3A_418 : vector<16xf32>
      %get3A_420 = arith.constant 48 : index
      %get3A_421 = tpu.vector_load %arg10[%get3A_420] {strides = array<i32>} : memref<64xf32, #tpu.memory_space<vmem>>, vector<16xf32>,
      %add3A_422 = arith.addf %add3A_413, %get3A_421 : vector<16xf32>
      %ne3A_423 = arith.constant 0.000000e+00 : f32
      %ne3A_424 = vector.broadcast %ne3A_423 : f32 to vector<16xf32>
      %ne3A_425 = arith.cmpf one, %get3A_421, %ne3A_424 : vector<16xf32>
      %convert_element_type3A_426 = arith.extui %ne3A_425 : vector<16xi1> to vector<16xi32>
      %convert_element_type3A_427 = arith.sitofp %convert_element_type3A_426 : vector<16xi32> to vector<16xf32>
      %add3A_428 = arith.addf %add3A_419, %convert_element_type3A_427 : vector<16xf32>
      %reduce_sum3A_429 = arith.constant true
      %reduce_sum3A_430 = vector.broadcast %reduce_sum3A_429 : i1 to vector<16xi1>
      %reduce_sum3A_431 = tpu.scan <sum>, %add3A_422 masked %reduce_sum3A_430 : vector<16xf32>, vector<16xi1> -> vector<16xf32>
      %reduce_sum3A_432 = vector.extract %reduce_sum3A_431[15] : f32 from vector<16xf32>
      %broadcast_in_dim3A_433 = vector.broadcast %reduce_sum3A_432 : f32 to vector<16xf32>
      %reduce_sum3A_434 = arith.constant true
      %reduce_sum3A_435 = vector.broadcast %reduce_sum3A_434 : i1 to vector<16xi1>
      %reduce_sum3A_436 = tpu.scan <sum>, %add3A_428 masked %reduce_sum3A_435 : vector<16xf32>, vector<16xi1> -> vector<16xf32>
      %reduce_sum3A_437 = vector.extract %reduce_sum3A_436[15] : f32 from vector<16xf32>
      %broadcast_in_dim3A_438 = vector.broadcast %reduce_sum3A_437 : f32 to vector<16xf32>
      %max3A = arith.constant 1.000000e+00 : f32
      %max3A_439 = vector.broadcast %max3A : f32 to vector<16xf32>
      %max3A_440 = arith.maximumf %broadcast_in_dim3A_438, %max3A_439 : vector<16xf32>
      %div3A_441 = arith.divf %max3A_440, %broadcast_in_dim3A_433 : vector<16xf32>
      %get3A_442 = arith.constant 0 : index
      %get3A_443 = tpu.vector_load %arg6[%get3A_442] {strides = array<i32>} : memref<256xf32, #tpu.memory_space<vmem>>, vector<16xf32>,
      %broadcast_in_dim3A_444 = arith.constant true
      %broadcast_in_dim3A_445 = vector.broadcast %broadcast_in_dim3A_444 : i1 to vector<16xi1>
      %masked_cumsum3A_446 = tpu.scan <sum>, %get3A_443 masked %broadcast_in_dim3A_445 : vector<16xf32>, vector<16xi1> -> vector<16xf32>
      %sub3A_447 = arith.subf %masked_cumsum3A_446, %get3A_443 : vector<16xf32>
      %add3A_448 = arith.constant 0.000000e+00 : f32
      %add3A_449 = vector.broadcast %add3A_448 : f32 to vector<16xf32>
      %add3A_450 = arith.addf %sub3A_447, %add3A_449 : vector<16xf32>
      %swap3A_451 = arith.constant 0 : index
      %swap3A_452 = tpu.vector_load %arg7[%swap3A_451] {strides = array<i32>} : memref<256xf32, #tpu.memory_space<vmem>>, vector<16xf32>,
      tpu.vector_store %arg7[%swap3A_451], %add3A_450 {strides = array<i32>} : memref<256xf32, #tpu.memory_space<vmem>>, vector<16xf32>,
      %reduce_sum3A_453 = arith.constant true
      %reduce_sum3A_454 = vector.broadcast %reduce_sum3A_453 : i1 to vector<16xi1>
      %reduce_sum3A_455 = tpu.scan <sum>, %get3A_443 masked %reduce_sum3A_454 : vector<16xf32>, vector<16xi1> -> vector<16xf32>
      %reduce_sum3A_456 = vector.extract %reduce_sum3A_455[15] : f32 from vector<16xf32>
      %add3A_457 = arith.constant 0.000000e+00 : f32
      %add3A_458 = arith.addf %add3A_457, %reduce_sum3A_456 : f32
      %get3A_459 = arith.constant 16 : index
      %get3A_460 = tpu.vector_load %arg6[%get3A_459] {strides = array<i32>} : memref<256xf32, #tpu.memory_space<vmem>>, vector<16xf32>,
      %broadcast_in_dim3A_461 = arith.constant true
      %broadcast_in_dim3A_462 = vector.broadcast %broadcast_in_dim3A_461 : i1 to vector<16xi1>
      %masked_cumsum3A_463 = tpu.scan <sum>, %get3A_460 masked %broadcast_in_dim3A_462 : vector<16xf32>, vector<16xi1> -> vector<16xf32>
      %sub3A_464 = arith.subf %masked_cumsum3A_463, %get3A_460 : vector<16xf32>
      %add3A_465 = vector.broadcast %add3A_458 : f32 to vector<16xf32>
      %add3A_466 = arith.addf %sub3A_464, %add3A_465 : vector<16xf32>
      %swap3A_467 = arith.constant 16 : index
      %swap3A_468 = tpu.vector_load %arg7[%swap3A_467] {strides = array<i32>} : memref<256xf32, #tpu.memory_space<vmem>>, vector<16xf32>,
      tpu.vector_store %arg7[%swap3A_467], %add3A_466 {strides = array<i32>} : memref<256xf32, #tpu.memory_space<vmem>>, vector<16xf32>,
      %reduce_sum3A_469 = arith.constant true
      %reduce_sum3A_470 = vector.broadcast %reduce_sum3A_469 : i1 to vector<16xi1>
      %reduce_sum3A_471 = tpu.scan <sum>, %get3A_460 masked %reduce_sum3A_470 : vector<16xf32>, vector<16xi1> -> vector<16xf32>
      %reduce_sum3A_472 = vector.extract %reduce_sum3A_471[15] : f32 from vector<16xf32>
      %add3A_473 = arith.addf %add3A_458, %reduce_sum3A_472 : f32
      %get3A_474 = arith.constant 32 : index
      %get3A_475 = tpu.vector_load %arg6[%get3A_474] {strides = array<i32>} : memref<256xf32, #tpu.memory_space<vmem>>, vector<16xf32>,
      %broadcast_in_dim3A_476 = arith.constant true
      %broadcast_in_dim3A_477 = vector.broadcast %broadcast_in_dim3A_476 : i1 to vector<16xi1>
      %masked_cumsum3A_478 = tpu.scan <sum>, %get3A_475 masked %broadcast_in_dim3A_477 : vector<16xf32>, vector<16xi1> -> vector<16xf32>
      %sub3A_479 = arith.subf %masked_cumsum3A_478, %get3A_475 : vector<16xf32>
      %add3A_480 = vector.broadcast %add3A_473 : f32 to vector<16xf32>
      %add3A_481 = arith.addf %sub3A_479, %add3A_480 : vector<16xf32>
      %swap3A_482 = arith.constant 32 : index
      %swap3A_483 = tpu.vector_load %arg7[%swap3A_482] {strides = array<i32>} : memref<256xf32, #tpu.memory_space<vmem>>, vector<16xf32>,
      tpu.vector_store %arg7[%swap3A_482], %add3A_481 {strides = array<i32>} : memref<256xf32, #tpu.memory_space<vmem>>, vector<16xf32>,
      %reduce_sum3A_484 = arith.constant true
      %reduce_sum3A_485 = vector.broadcast %reduce_sum3A_484 : i1 to vector<16xi1>
      %reduce_sum3A_486 = tpu.scan <sum>, %get3A_475 masked %reduce_sum3A_485 : vector<16xf32>, vector<16xi1> -> vector<16xf32>
      %reduce_sum3A_487 = vector.extract %reduce_sum3A_486[15] : f32 from vector<16xf32>
      %add3A_488 = arith.addf %add3A_473, %reduce_sum3A_487 : f32
      %get3A_489 = arith.constant 48 : index
      %get3A_490 = tpu.vector_load %arg6[%get3A_489] {strides = array<i32>} : memref<256xf32, #tpu.memory_space<vmem>>, vector<16xf32>,
      %broadcast_in_dim3A_491 = arith.constant true
      %broadcast_in_dim3A_492 = vector.broadcast %broadcast_in_dim3A_491 : i1 to vector<16xi1>
      %masked_cumsum3A_493 = tpu.scan <sum>, %get3A_490 masked %broadcast_in_dim3A_492 : vector<16xf32>, vector<16xi1> -> vector<16xf32>
      %sub3A_494 = arith.subf %masked_cumsum3A_493, %get3A_490 : vector<16xf32>
      %add3A_495 = vector.broadcast %add3A_488 : f32 to vector<16xf32>
      %add3A_496 = arith.addf %sub3A_494, %add3A_495 : vector<16xf32>
      %swap3A_497 = arith.constant 48 : index
      %swap3A_498 = tpu.vector_load %arg7[%swap3A_497] {strides = array<i32>} : memref<256xf32, #tpu.memory_space<vmem>>, vector<16xf32>,
      tpu.vector_store %arg7[%swap3A_497], %add3A_496 {strides = array<i32>} : memref<256xf32, #tpu.memory_space<vmem>>, vector<16xf32>,
      %reduce_sum3A_499 = arith.constant true
      %reduce_sum3A_500 = vector.broadcast %reduce_sum3A_499 : i1 to vector<16xi1>
      %reduce_sum3A_501 = tpu.scan <sum>, %get3A_490 masked %reduce_sum3A_500 : vector<16xf32>, vector<16xi1> -> vector<16xf32>
      %reduce_sum3A_502 = vector.extract %reduce_sum3A_501[15] : f32 from vector<16xf32>
      %add3A_503 = arith.addf %add3A_488, %reduce_sum3A_502 : f32
      %get3A_504 = arith.constant 64 : index
      %get3A_505 = tpu.vector_load %arg6[%get3A_504] {strides = array<i32>} : memref<256xf32, #tpu.memory_space<vmem>>, vector<16xf32>,
      %broadcast_in_dim3A_506 = arith.constant true
      %broadcast_in_dim3A_507 = vector.broadcast %broadcast_in_dim3A_506 : i1 to vector<16xi1>
      %masked_cumsum3A_508 = tpu.scan <sum>, %get3A_505 masked %broadcast_in_dim3A_507 : vector<16xf32>, vector<16xi1> -> vector<16xf32>
      %sub3A_509 = arith.subf %masked_cumsum3A_508, %get3A_505 : vector<16xf32>
      %add3A_510 = vector.broadcast %add3A_503 : f32 to vector<16xf32>
      %add3A_511 = arith.addf %sub3A_509, %add3A_510 : vector<16xf32>
      %swap3A_512 = arith.constant 64 : index
      %swap3A_513 = tpu.vector_load %arg7[%swap3A_512] {strides = array<i32>} : memref<256xf32, #tpu.memory_space<vmem>>, vector<16xf32>,
      tpu.vector_store %arg7[%swap3A_512], %add3A_511 {strides = array<i32>} : memref<256xf32, #tpu.memory_space<vmem>>, vector<16xf32>,
      %reduce_sum3A_514 = arith.constant true
      %reduce_sum3A_515 = vector.broadcast %reduce_sum3A_514 : i1 to vector<16xi1>
      %reduce_sum3A_516 = tpu.scan <sum>, %get3A_505 masked %reduce_sum3A_515 : vector<16xf32>, vector<16xi1> -> vector<16xf32>
      %reduce_sum3A_517 = vector.extract %reduce_sum3A_516[15] : f32 from vector<16xf32>
      %add3A_518 = arith.addf %add3A_503, %reduce_sum3A_517 : f32
      %get3A_519 = arith.constant 80 : index
      %get3A_520 = tpu.vector_load %arg6[%get3A_519] {strides = array<i32>} : memref<256xf32, #tpu.memory_space<vmem>>, vector<16xf32>,
      %broadcast_in_dim3A_521 = arith.constant true
      %broadcast_in_dim3A_522 = vector.broadcast %broadcast_in_dim3A_521 : i1 to vector<16xi1>
      %masked_cumsum3A_523 = tpu.scan <sum>, %get3A_520 masked %broadcast_in_dim3A_522 : vector<16xf32>, vector<16xi1> -> vector<16xf32>
      %sub3A_524 = arith.subf %masked_cumsum3A_523, %get3A_520 : vector<16xf32>
      %add3A_525 = vector.broadcast %add3A_518 : f32 to vector<16xf32>
      %add3A_526 = arith.addf %sub3A_524, %add3A_525 : vector<16xf32>
      %swap3A_527 = arith.constant 80 : index
      %swap3A_528 = tpu.vector_load %arg7[%swap3A_527] {strides = array<i32>} : memref<256xf32, #tpu.memory_space<vmem>>, vector<16xf32>,
      tpu.vector_store %arg7[%swap3A_527], %add3A_526 {strides = array<i32>} : memref<256xf32, #tpu.memory_space<vmem>>, vector<16xf32>,
      %reduce_sum3A_529 = arith.constant true
      %reduce_sum3A_530 = vector.broadcast %reduce_sum3A_529 : i1 to vector<16xi1>
      %reduce_sum3A_531 = tpu.scan <sum>, %get3A_520 masked %reduce_sum3A_530 : vector<16xf32>, vector<16xi1> -> vector<16xf32>
      %reduce_sum3A_532 = vector.extract %reduce_sum3A_531[15] : f32 from vector<16xf32>
      %add3A_533 = arith.addf %add3A_518, %reduce_sum3A_532 : f32
      %get3A_534 = arith.constant 96 : index
      %get3A_535 = tpu.vector_load %arg6[%get3A_534] {strides = array<i32>} : memref<256xf32, #tpu.memory_space<vmem>>, vector<16xf32>,
      %broadcast_in_dim3A_536 = arith.constant true
      %broadcast_in_dim3A_537 = vector.broadcast %broadcast_in_dim3A_536 : i1 to vector<16xi1>
      %masked_cumsum3A_538 = tpu.scan <sum>, %get3A_535 masked %broadcast_in_dim3A_537 : vector<16xf32>, vector<16xi1> -> vector<16xf32>
      %sub3A_539 = arith.subf %masked_cumsum3A_538, %get3A_535 : vector<16xf32>
      %add3A_540 = vector.broadcast %add3A_533 : f32 to vector<16xf32>
      %add3A_541 = arith.addf %sub3A_539, %add3A_540 : vector<16xf32>
      %swap3A_542 = arith.constant 96 : index
      %swap3A_543 = tpu.vector_load %arg7[%swap3A_542] {strides = array<i32>} : memref<256xf32, #tpu.memory_space<vmem>>, vector<16xf32>,
      tpu.vector_store %arg7[%swap3A_542], %add3A_541 {strides = array<i32>} : memref<256xf32, #tpu.memory_space<vmem>>, vector<16xf32>,
      %reduce_sum3A_544 = arith.constant true
      %reduce_sum3A_545 = vector.broadcast %reduce_sum3A_544 : i1 to vector<16xi1>
      %reduce_sum3A_546 = tpu.scan <sum>, %get3A_535 masked %reduce_sum3A_545 : vector<16xf32>, vector<16xi1> -> vector<16xf32>
      %reduce_sum3A_547 = vector.extract %reduce_sum3A_546[15] : f32 from vector<16xf32>
      %add3A_548 = arith.addf %add3A_533, %reduce_sum3A_547 : f32
      %get3A_549 = arith.constant 112 : index
      %get3A_550 = tpu.vector_load %arg6[%get3A_549] {strides = array<i32>} : memref<256xf32, #tpu.memory_space<vmem>>, vector<16xf32>,
      %broadcast_in_dim3A_551 = arith.constant true
      %broadcast_in_dim3A_552 = vector.broadcast %broadcast_in_dim3A_551 : i1 to vector<16xi1>
      %masked_cumsum3A_553 = tpu.scan <sum>, %get3A_550 masked %broadcast_in_dim3A_552 : vector<16xf32>, vector<16xi1> -> vector<16xf32>
      %sub3A_554 = arith.subf %masked_cumsum3A_553, %get3A_550 : vector<16xf32>
      %add3A_555 = vector.broadcast %add3A_548 : f32 to vector<16xf32>
      %add3A_556 = arith.addf %sub3A_554, %add3A_555 : vector<16xf32>
      %swap3A_557 = arith.constant 112 : index
      %swap3A_558 = tpu.vector_load %arg7[%swap3A_557] {strides = array<i32>} : memref<256xf32, #tpu.memory_space<vmem>>, vector<16xf32>,
      tpu.vector_store %arg7[%swap3A_557], %add3A_556 {strides = array<i32>} : memref<256xf32, #tpu.memory_space<vmem>>, vector<16xf32>,
      %reduce_sum3A_559 = arith.constant true
      %reduce_sum3A_560 = vector.broadcast %reduce_sum3A_559 : i1 to vector<16xi1>
      %reduce_sum3A_561 = tpu.scan <sum>, %get3A_550 masked %reduce_sum3A_560 : vector<16xf32>, vector<16xi1> -> vector<16xf32>
      %reduce_sum3A_562 = vector.extract %reduce_sum3A_561[15] : f32 from vector<16xf32>
      %add3A_563 = arith.addf %add3A_548, %reduce_sum3A_562 : f32
      %get3A_564 = arith.constant 128 : index
      %get3A_565 = tpu.vector_load %arg6[%get3A_564] {strides = array<i32>} : memref<256xf32, #tpu.memory_space<vmem>>, vector<16xf32>,
      %broadcast_in_dim3A_566 = arith.constant true
      %broadcast_in_dim3A_567 = vector.broadcast %broadcast_in_dim3A_566 : i1 to vector<16xi1>
      %masked_cumsum3A_568 = tpu.scan <sum>, %get3A_565 masked %broadcast_in_dim3A_567 : vector<16xf32>, vector<16xi1> -> vector<16xf32>
      %sub3A_569 = arith.subf %masked_cumsum3A_568, %get3A_565 : vector<16xf32>
      %add3A_570 = vector.broadcast %add3A_563 : f32 to vector<16xf32>
      %add3A_571 = arith.addf %sub3A_569, %add3A_570 : vector<16xf32>
      %swap3A_572 = arith.constant 128 : index
      %swap3A_573 = tpu.vector_load %arg7[%swap3A_572] {strides = array<i32>} : memref<256xf32, #tpu.memory_space<vmem>>, vector<16xf32>,
      tpu.vector_store %arg7[%swap3A_572], %add3A_571 {strides = array<i32>} : memref<256xf32, #tpu.memory_space<vmem>>, vector<16xf32>,
      %reduce_sum3A_574 = arith.constant true
      %reduce_sum3A_575 = vector.broadcast %reduce_sum3A_574 : i1 to vector<16xi1>
      %reduce_sum3A_576 = tpu.scan <sum>, %get3A_565 masked %reduce_sum3A_575 : vector<16xf32>, vector<16xi1> -> vector<16xf32>
      %reduce_sum3A_577 = vector.extract %reduce_sum3A_576[15] : f32 from vector<16xf32>
      %add3A_578 = arith.addf %add3A_563, %reduce_sum3A_577 : f32
      %get3A_579 = arith.constant 144 : index
      %get3A_580 = tpu.vector_load %arg6[%get3A_579] {strides = array<i32>} : memref<256xf32, #tpu.memory_space<vmem>>, vector<16xf32>,
      %broadcast_in_dim3A_581 = arith.constant true
      %broadcast_in_dim3A_582 = vector.broadcast %broadcast_in_dim3A_581 : i1 to vector<16xi1>
      %masked_cumsum3A_583 = tpu.scan <sum>, %get3A_580 masked %broadcast_in_dim3A_582 : vector<16xf32>, vector<16xi1> -> vector<16xf32>
      %sub3A_584 = arith.subf %masked_cumsum3A_583, %get3A_580 : vector<16xf32>
      %add3A_585 = vector.broadcast %add3A_578 : f32 to vector<16xf32>
      %add3A_586 = arith.addf %sub3A_584, %add3A_585 : vector<16xf32>
      %swap3A_587 = arith.constant 144 : index
      %swap3A_588 = tpu.vector_load %arg7[%swap3A_587] {strides = array<i32>} : memref<256xf32, #tpu.memory_space<vmem>>, vector<16xf32>,
      tpu.vector_store %arg7[%swap3A_587], %add3A_586 {strides = array<i32>} : memref<256xf32, #tpu.memory_space<vmem>>, vector<16xf32>,
      %reduce_sum3A_589 = arith.constant true
      %reduce_sum3A_590 = vector.broadcast %reduce_sum3A_589 : i1 to vector<16xi1>
      %reduce_sum3A_591 = tpu.scan <sum>, %get3A_580 masked %reduce_sum3A_590 : vector<16xf32>, vector<16xi1> -> vector<16xf32>
      %reduce_sum3A_592 = vector.extract %reduce_sum3A_591[15] : f32 from vector<16xf32>
      %add3A_593 = arith.addf %add3A_578, %reduce_sum3A_592 : f32
      %get3A_594 = arith.constant 160 : index
      %get3A_595 = tpu.vector_load %arg6[%get3A_594] {strides = array<i32>} : memref<256xf32, #tpu.memory_space<vmem>>, vector<16xf32>,
      %broadcast_in_dim3A_596 = arith.constant true
      %broadcast_in_dim3A_597 = vector.broadcast %broadcast_in_dim3A_596 : i1 to vector<16xi1>
      %masked_cumsum3A_598 = tpu.scan <sum>, %get3A_595 masked %broadcast_in_dim3A_597 : vector<16xf32>, vector<16xi1> -> vector<16xf32>
      %sub3A_599 = arith.subf %masked_cumsum3A_598, %get3A_595 : vector<16xf32>
      %add3A_600 = vector.broadcast %add3A_593 : f32 to vector<16xf32>
      %add3A_601 = arith.addf %sub3A_599, %add3A_600 : vector<16xf32>
      %swap3A_602 = arith.constant 160 : index
      %swap3A_603 = tpu.vector_load %arg7[%swap3A_602] {strides = array<i32>} : memref<256xf32, #tpu.memory_space<vmem>>, vector<16xf32>,
      tpu.vector_store %arg7[%swap3A_602], %add3A_601 {strides = array<i32>} : memref<256xf32, #tpu.memory_space<vmem>>, vector<16xf32>,
      %reduce_sum3A_604 = arith.constant true
      %reduce_sum3A_605 = vector.broadcast %reduce_sum3A_604 : i1 to vector<16xi1>
      %reduce_sum3A_606 = tpu.scan <sum>, %get3A_595 masked %reduce_sum3A_605 : vector<16xf32>, vector<16xi1> -> vector<16xf32>
      %reduce_sum3A_607 = vector.extract %reduce_sum3A_606[15] : f32 from vector<16xf32>
      %add3A_608 = arith.addf %add3A_593, %reduce_sum3A_607 : f32
      %get3A_609 = arith.constant 176 : index
      %get3A_610 = tpu.vector_load %arg6[%get3A_609] {strides = array<i32>} : memref<256xf32, #tpu.memory_space<vmem>>, vector<16xf32>,
      %broadcast_in_dim3A_611 = arith.constant true
      %broadcast_in_dim3A_612 = vector.broadcast %broadcast_in_dim3A_611 : i1 to vector<16xi1>
      %masked_cumsum3A_613 = tpu.scan <sum>, %get3A_610 masked %broadcast_in_dim3A_612 : vector<16xf32>, vector<16xi1> -> vector<16xf32>
      %sub3A_614 = arith.subf %masked_cumsum3A_613, %get3A_610 : vector<16xf32>
      %add3A_615 = vector.broadcast %add3A_608 : f32 to vector<16xf32>
      %add3A_616 = arith.addf %sub3A_614, %add3A_615 : vector<16xf32>
      %swap3A_617 = arith.constant 176 : index
      %swap3A_618 = tpu.vector_load %arg7[%swap3A_617] {strides = array<i32>} : memref<256xf32, #tpu.memory_space<vmem>>, vector<16xf32>,
      tpu.vector_store %arg7[%swap3A_617], %add3A_616 {strides = array<i32>} : memref<256xf32, #tpu.memory_space<vmem>>, vector<16xf32>,
      %reduce_sum3A_619 = arith.constant true
      %reduce_sum3A_620 = vector.broadcast %reduce_sum3A_619 : i1 to vector<16xi1>
      %reduce_sum3A_621 = tpu.scan <sum>, %get3A_610 masked %reduce_sum3A_620 : vector<16xf32>, vector<16xi1> -> vector<16xf32>
      %reduce_sum3A_622 = vector.extract %reduce_sum3A_621[15] : f32 from vector<16xf32>
      %add3A_623 = arith.addf %add3A_608, %reduce_sum3A_622 : f32
      %get3A_624 = arith.constant 192 : index
      %get3A_625 = tpu.vector_load %arg6[%get3A_624] {strides = array<i32>} : memref<256xf32, #tpu.memory_space<vmem>>, vector<16xf32>,
      %broadcast_in_dim3A_626 = arith.constant true
      %broadcast_in_dim3A_627 = vector.broadcast %broadcast_in_dim3A_626 : i1 to vector<16xi1>
      %masked_cumsum3A_628 = tpu.scan <sum>, %get3A_625 masked %broadcast_in_dim3A_627 : vector<16xf32>, vector<16xi1> -> vector<16xf32>
      %sub3A_629 = arith.subf %masked_cumsum3A_628, %get3A_625 : vector<16xf32>
      %add3A_630 = vector.broadcast %add3A_623 : f32 to vector<16xf32>
      %add3A_631 = arith.addf %sub3A_629, %add3A_630 : vector<16xf32>
      %swap3A_632 = arith.constant 192 : index
      %swap3A_633 = tpu.vector_load %arg7[%swap3A_632] {strides = array<i32>} : memref<256xf32, #tpu.memory_space<vmem>>, vector<16xf32>,
      tpu.vector_store %arg7[%swap3A_632], %add3A_631 {strides = array<i32>} : memref<256xf32, #tpu.memory_space<vmem>>, vector<16xf32>,
      %reduce_sum3A_634 = arith.constant true
      %reduce_sum3A_635 = vector.broadcast %reduce_sum3A_634 : i1 to vector<16xi1>
      %reduce_sum3A_636 = tpu.scan <sum>, %get3A_625 masked %reduce_sum3A_635 : vector<16xf32>, vector<16xi1> -> vector<16xf32>
      %reduce_sum3A_637 = vector.extract %reduce_sum3A_636[15] : f32 from vector<16xf32>
      %add3A_638 = arith.addf %add3A_623, %reduce_sum3A_637 : f32
      %get3A_639 = arith.constant 208 : index
      %get3A_640 = tpu.vector_load %arg6[%get3A_639] {strides = array<i32>} : memref<256xf32, #tpu.memory_space<vmem>>, vector<16xf32>,
      %broadcast_in_dim3A_641 = arith.constant true
      %broadcast_in_dim3A_642 = vector.broadcast %broadcast_in_dim3A_641 : i1 to vector<16xi1>
      %masked_cumsum3A_643 = tpu.scan <sum>, %get3A_640 masked %broadcast_in_dim3A_642 : vector<16xf32>, vector<16xi1> -> vector<16xf32>
      %sub3A_644 = arith.subf %masked_cumsum3A_643, %get3A_640 : vector<16xf32>
      %add3A_645 = vector.broadcast %add3A_638 : f32 to vector<16xf32>
      %add3A_646 = arith.addf %sub3A_644, %add3A_645 : vector<16xf32>
      %swap3A_647 = arith.constant 208 : index
      %swap3A_648 = tpu.vector_load %arg7[%swap3A_647] {strides = array<i32>} : memref<256xf32, #tpu.memory_space<vmem>>, vector<16xf32>,
      tpu.vector_store %arg7[%swap3A_647], %add3A_646 {strides = array<i32>} : memref<256xf32, #tpu.memory_space<vmem>>, vector<16xf32>,
      %reduce_sum3A_649 = arith.constant true
      %reduce_sum3A_650 = vector.broadcast %reduce_sum3A_649 : i1 to vector<16xi1>
      %reduce_sum3A_651 = tpu.scan <sum>, %get3A_640 masked %reduce_sum3A_650 : vector<16xf32>, vector<16xi1> -> vector<16xf32>
      %reduce_sum3A_652 = vector.extract %reduce_sum3A_651[15] : f32 from vector<16xf32>
      %add3A_653 = arith.addf %add3A_638, %reduce_sum3A_652 : f32
      %get3A_654 = arith.constant 224 : index
      %get3A_655 = tpu.vector_load %arg6[%get3A_654] {strides = array<i32>} : memref<256xf32, #tpu.memory_space<vmem>>, vector<16xf32>,
      %broadcast_in_dim3A_656 = arith.constant true
      %broadcast_in_dim3A_657 = vector.broadcast %broadcast_in_dim3A_656 : i1 to vector<16xi1>
      %masked_cumsum3A_658 = tpu.scan <sum>, %get3A_655 masked %broadcast_in_dim3A_657 : vector<16xf32>, vector<16xi1> -> vector<16xf32>
      %sub3A_659 = arith.subf %masked_cumsum3A_658, %get3A_655 : vector<16xf32>
      %add3A_660 = vector.broadcast %add3A_653 : f32 to vector<16xf32>
      %add3A_661 = arith.addf %sub3A_659, %add3A_660 : vector<16xf32>
      %swap3A_662 = arith.constant 224 : index
      %swap3A_663 = tpu.vector_load %arg7[%swap3A_662] {strides = array<i32>} : memref<256xf32, #tpu.memory_space<vmem>>, vector<16xf32>,
      tpu.vector_store %arg7[%swap3A_662], %add3A_661 {strides = array<i32>} : memref<256xf32, #tpu.memory_space<vmem>>, vector<16xf32>,
      %reduce_sum3A_664 = arith.constant true
      %reduce_sum3A_665 = vector.broadcast %reduce_sum3A_664 : i1 to vector<16xi1>
      %reduce_sum3A_666 = tpu.scan <sum>, %get3A_655 masked %reduce_sum3A_665 : vector<16xf32>, vector<16xi1> -> vector<16xf32>
      %reduce_sum3A_667 = vector.extract %reduce_sum3A_666[15] : f32 from vector<16xf32>
      %add3A_668 = arith.addf %add3A_653, %reduce_sum3A_667 : f32
      %get3A_669 = arith.constant 240 : index
      %get3A_670 = tpu.vector_load %arg6[%get3A_669] {strides = array<i32>} : memref<256xf32, #tpu.memory_space<vmem>>, vector<16xf32>,
      %broadcast_in_dim3A_671 = arith.constant true
      %broadcast_in_dim3A_672 = vector.broadcast %broadcast_in_dim3A_671 : i1 to vector<16xi1>
      %masked_cumsum3A_673 = tpu.scan <sum>, %get3A_670 masked %broadcast_in_dim3A_672 : vector<16xf32>, vector<16xi1> -> vector<16xf32>
      %sub3A_674 = arith.subf %masked_cumsum3A_673, %get3A_670 : vector<16xf32>
      %add3A_675 = vector.broadcast %add3A_668 : f32 to vector<16xf32>
      %add3A_676 = arith.addf %sub3A_674, %add3A_675 : vector<16xf32>
      %swap3A_677 = arith.constant 240 : index
      %swap3A_678 = tpu.vector_load %arg7[%swap3A_677] {strides = array<i32>} : memref<256xf32, #tpu.memory_space<vmem>>, vector<16xf32>,
      tpu.vector_store %arg7[%swap3A_677], %add3A_676 {strides = array<i32>} : memref<256xf32, #tpu.memory_space<vmem>>, vector<16xf32>,
      %reduce_sum3A_679 = arith.constant true
      %reduce_sum3A_680 = vector.broadcast %reduce_sum3A_679 : i1 to vector<16xi1>
      %reduce_sum3A_681 = tpu.scan <sum>, %get3A_670 masked %reduce_sum3A_680 : vector<16xf32>, vector<16xi1> -> vector<16xf32>
      %reduce_sum3A_682 = vector.extract %reduce_sum3A_681[15] : f32 from vector<16xf32>
      %add3A_683 = arith.addf %add3A_668, %reduce_sum3A_682 : f32
      %get3A_684 = arith.constant 0 : index
      %get3A_685 = tpu.vector_load %arg9[%get3A_684] {strides = array<i32>} : memref<64xi32, #tpu.memory_space<vmem>>, vector<16xi32>,
      %broadcast_in_dim3A_686 = arith.constant true
      %broadcast_in_dim3A_687 = vector.broadcast %broadcast_in_dim3A_686 : i1 to vector<16xi1>
      %masked_cumsum3A_688 = tpu.scan <sum>, %get3A_685 masked %broadcast_in_dim3A_687 : vector<16xi32>, vector<16xi1> -> vector<16xi32>
      %add3A_689 = arith.constant 0 : i32
      %add3A_690 = vector.broadcast %add3A_689 : i32 to vector<16xi32>
      %add3A_691 = arith.addi %masked_cumsum3A_688, %add3A_690 : vector<16xi32>
      %sub3A_692 = arith.subi %add3A_691, %get3A_685 : vector<16xi32>
      %reduce_sum3A_693 = arith.constant true
      %reduce_sum3A_694 = vector.broadcast %reduce_sum3A_693 : i1 to vector<16xi1>
      %reduce_sum3A_695 = tpu.scan <sum>, %get3A_685 masked %reduce_sum3A_694 : vector<16xi32>, vector<16xi1> -> vector<16xi32>
      %reduce_sum3A_696 = vector.extract %reduce_sum3A_695[15] : i32 from vector<16xi32>
      %add3A_697 = arith.constant 0 : i32
      %add3A_698 = arith.addi %add3A_697, %reduce_sum3A_696 : i32
      %gather3A_699 = tpu.vector_load_idx %arg7[%add3A_691] : memref<256xf32, #tpu.memory_space<vmem>>[vector<16xi32>], vector<16xf32>,
      %gather3A_700 = tpu.vector_load_idx %arg7[%sub3A_692] : memref<256xf32, #tpu.memory_space<vmem>>[vector<16xi32>], vector<16xf32>,
      %convert_element_type3A_701 = arith.sitofp %get3A_685 : vector<16xi32> to vector<16xf32>
      %gt3A_702 = arith.constant 0 : i32
      %gt3A_703 = vector.broadcast %gt3A_702 : i32 to vector<16xi32>
      %gt3A_704 = arith.cmpi sgt, %get3A_685, %gt3A_703 : vector<16xi32>
      %sub3A_705 = arith.subf %gather3A_699, %gather3A_700 : vector<16xf32>
      %div3A_706 = arith.divf %sub3A_705, %convert_element_type3A_701 : vector<16xf32>
      %jit3A_707 = arith.constant 0.000000e+00 : f32
      %broadcast_in_dim3A_708 = vector.broadcast %jit3A_707 : f32 to vector<16xf32>
      %select_n3A_709 = arith.select %gt3A_704, %div3A_706, %broadcast_in_dim3A_708 : vector<16xi1>, vector<16xf32>
      %swap3A_710 = arith.constant 0 : index
      %swap3A_711 = tpu.vector_load %arg10[%swap3A_710] {strides = array<i32>} : memref<64xf32, #tpu.memory_space<vmem>>, vector<16xf32>,
      tpu.vector_store %arg10[%swap3A_710], %select_n3A_709 {strides = array<i32>} : memref<64xf32, #tpu.memory_space<vmem>>, vector<16xf32>,
      %get3A_712 = arith.constant 16 : index
      %get3A_713 = tpu.vector_load %arg9[%get3A_712] {strides = array<i32>} : memref<64xi32, #tpu.memory_space<vmem>>, vector<16xi32>,
      %broadcast_in_dim3A_714 = arith.constant true
      %broadcast_in_dim3A_715 = vector.broadcast %broadcast_in_dim3A_714 : i1 to vector<16xi1>
      %masked_cumsum3A_716 = tpu.scan <sum>, %get3A_713 masked %broadcast_in_dim3A_715 : vector<16xi32>, vector<16xi1> -> vector<16xi32>
      %add3A_717 = vector.broadcast %add3A_698 : i32 to vector<16xi32>
      %add3A_718 = arith.addi %masked_cumsum3A_716, %add3A_717 : vector<16xi32>
      %sub3A_719 = arith.subi %add3A_718, %get3A_713 : vector<16xi32>
      %reduce_sum3A_720 = arith.constant true
      %reduce_sum3A_721 = vector.broadcast %reduce_sum3A_720 : i1 to vector<16xi1>
      %reduce_sum3A_722 = tpu.scan <sum>, %get3A_713 masked %reduce_sum3A_721 : vector<16xi32>, vector<16xi1> -> vector<16xi32>
      %reduce_sum3A_723 = vector.extract %reduce_sum3A_722[15] : i32 from vector<16xi32>
      %add3A_724 = arith.addi %add3A_698, %reduce_sum3A_723 : i32
      %gather3A_725 = tpu.vector_load_idx %arg7[%add3A_718] : memref<256xf32, #tpu.memory_space<vmem>>[vector<16xi32>], vector<16xf32>,
      %gather3A_726 = tpu.vector_load_idx %arg7[%sub3A_719] : memref<256xf32, #tpu.memory_space<vmem>>[vector<16xi32>], vector<16xf32>,
      %convert_element_type3A_727 = arith.sitofp %get3A_713 : vector<16xi32> to vector<16xf32>
      %gt3A_728 = arith.constant 0 : i32
      %gt3A_729 = vector.broadcast %gt3A_728 : i32 to vector<16xi32>
      %gt3A_730 = arith.cmpi sgt, %get3A_713, %gt3A_729 : vector<16xi32>
      %sub3A_731 = arith.subf %gather3A_725, %gather3A_726 : vector<16xf32>
      %div3A_732 = arith.divf %sub3A_731, %convert_element_type3A_727 : vector<16xf32>
      %jit3A_733 = arith.constant 0.000000e+00 : f32
      %broadcast_in_dim3A_734 = vector.broadcast %jit3A_733 : f32 to vector<16xf32>
      %select_n3A_735 = arith.select %gt3A_730, %div3A_732, %broadcast_in_dim3A_734 : vector<16xi1>, vector<16xf32>
      %swap3A_736 = arith.constant 16 : index
      %swap3A_737 = tpu.vector_load %arg10[%swap3A_736] {strides = array<i32>} : memref<64xf32, #tpu.memory_space<vmem>>, vector<16xf32>,
      tpu.vector_store %arg10[%swap3A_736], %select_n3A_735 {strides = array<i32>} : memref<64xf32, #tpu.memory_space<vmem>>, vector<16xf32>,
      %get3A_738 = arith.constant 32 : index
      %get3A_739 = tpu.vector_load %arg9[%get3A_738] {strides = array<i32>} : memref<64xi32, #tpu.memory_space<vmem>>, vector<16xi32>,
      %broadcast_in_dim3A_740 = arith.constant true
      %broadcast_in_dim3A_741 = vector.broadcast %broadcast_in_dim3A_740 : i1 to vector<16xi1>
      %masked_cumsum3A_742 = tpu.scan <sum>, %get3A_739 masked %broadcast_in_dim3A_741 : vector<16xi32>, vector<16xi1> -> vector<16xi32>
      %add3A_743 = vector.broadcast %add3A_724 : i32 to vector<16xi32>
      %add3A_744 = arith.addi %masked_cumsum3A_742, %add3A_743 : vector<16xi32>
      %sub3A_745 = arith.subi %add3A_744, %get3A_739 : vector<16xi32>
      %reduce_sum3A_746 = arith.constant true
      %reduce_sum3A_747 = vector.broadcast %reduce_sum3A_746 : i1 to vector<16xi1>
      %reduce_sum3A_748 = tpu.scan <sum>, %get3A_739 masked %reduce_sum3A_747 : vector<16xi32>, vector<16xi1> -> vector<16xi32>
      %reduce_sum3A_749 = vector.extract %reduce_sum3A_748[15] : i32 from vector<16xi32>
      %add3A_750 = arith.addi %add3A_724, %reduce_sum3A_749 : i32
      %gather3A_751 = tpu.vector_load_idx %arg7[%add3A_744] : memref<256xf32, #tpu.memory_space<vmem>>[vector<16xi32>], vector<16xf32>,
      %gather3A_752 = tpu.vector_load_idx %arg7[%sub3A_745] : memref<256xf32, #tpu.memory_space<vmem>>[vector<16xi32>], vector<16xf32>,
      %convert_element_type3A_753 = arith.sitofp %get3A_739 : vector<16xi32> to vector<16xf32>
      %gt3A_754 = arith.constant 0 : i32
      %gt3A_755 = vector.broadcast %gt3A_754 : i32 to vector<16xi32>
      %gt3A_756 = arith.cmpi sgt, %get3A_739, %gt3A_755 : vector<16xi32>
      %sub3A_757 = arith.subf %gather3A_751, %gather3A_752 : vector<16xf32>
      %div3A_758 = arith.divf %sub3A_757, %convert_element_type3A_753 : vector<16xf32>
      %jit3A_759 = arith.constant 0.000000e+00 : f32
      %broadcast_in_dim3A_760 = vector.broadcast %jit3A_759 : f32 to vector<16xf32>
      %select_n3A_761 = arith.select %gt3A_756, %div3A_758, %broadcast_in_dim3A_760 : vector<16xi1>, vector<16xf32>
      %swap3A_762 = arith.constant 32 : index
      %swap3A_763 = tpu.vector_load %arg10[%swap3A_762] {strides = array<i32>} : memref<64xf32, #tpu.memory_space<vmem>>, vector<16xf32>,
      tpu.vector_store %arg10[%swap3A_762], %select_n3A_761 {strides = array<i32>} : memref<64xf32, #tpu.memory_space<vmem>>, vector<16xf32>,
      %get3A_764 = arith.constant 48 : index
      %get3A_765 = tpu.vector_load %arg9[%get3A_764] {strides = array<i32>} : memref<64xi32, #tpu.memory_space<vmem>>, vector<16xi32>,
      %broadcast_in_dim3A_766 = arith.constant true
      %broadcast_in_dim3A_767 = vector.broadcast %broadcast_in_dim3A_766 : i1 to vector<16xi1>
      %masked_cumsum3A_768 = tpu.scan <sum>, %get3A_765 masked %broadcast_in_dim3A_767 : vector<16xi32>, vector<16xi1> -> vector<16xi32>
      %add3A_769 = vector.broadcast %add3A_750 : i32 to vector<16xi32>
      %add3A_770 = arith.addi %masked_cumsum3A_768, %add3A_769 : vector<16xi32>
      %sub3A_771 = arith.subi %add3A_770, %get3A_765 : vector<16xi32>
      %reduce_sum3A_772 = arith.constant true
      %reduce_sum3A_773 = vector.broadcast %reduce_sum3A_772 : i1 to vector<16xi1>
      %reduce_sum3A_774 = tpu.scan <sum>, %get3A_765 masked %reduce_sum3A_773 : vector<16xi32>, vector<16xi1> -> vector<16xi32>
      %reduce_sum3A_775 = vector.extract %reduce_sum3A_774[15] : i32 from vector<16xi32>
      %add3A_776 = arith.addi %add3A_750, %reduce_sum3A_775 : i32
      %gather3A_777 = tpu.vector_load_idx %arg7[%add3A_770] : memref<256xf32, #tpu.memory_space<vmem>>[vector<16xi32>], vector<16xf32>,
      %gather3A_778 = tpu.vector_load_idx %arg7[%sub3A_771] : memref<256xf32, #tpu.memory_space<vmem>>[vector<16xi32>], vector<16xf32>,
      %convert_element_type3A_779 = arith.sitofp %get3A_765 : vector<16xi32> to vector<16xf32>
      %gt3A_780 = arith.constant 0 : i32
      %gt3A_781 = vector.broadcast %gt3A_780 : i32 to vector<16xi32>
      %gt3A_782 = arith.cmpi sgt, %get3A_765, %gt3A_781 : vector<16xi32>
      %sub3A_783 = arith.subf %gather3A_777, %gather3A_778 : vector<16xf32>
      %div3A_784 = arith.divf %sub3A_783, %convert_element_type3A_779 : vector<16xf32>
      %jit3A_785 = arith.constant 0.000000e+00 : f32
      %broadcast_in_dim3A_786 = vector.broadcast %jit3A_785 : f32 to vector<16xf32>
      %select_n3A_787 = arith.select %gt3A_782, %div3A_784, %broadcast_in_dim3A_786 : vector<16xi1>, vector<16xf32>
      %swap3A_788 = arith.constant 48 : index
      %swap3A_789 = tpu.vector_load %arg10[%swap3A_788] {strides = array<i32>} : memref<64xf32, #tpu.memory_space<vmem>>, vector<16xf32>,
      tpu.vector_store %arg10[%swap3A_788], %select_n3A_787 {strides = array<i32>} : memref<64xf32, #tpu.memory_space<vmem>>, vector<16xf32>,
      %get3A_790 = arith.constant 0 : index
      %get3A_791 = tpu.vector_load %arg10[%get3A_790] {strides = array<i32>} : memref<64xf32, #tpu.memory_space<vmem>>, vector<16xf32>,
      %mul3A_792 = arith.mulf %get3A_791, %div3A_441 : vector<16xf32>
      %swap3A_793 = arith.constant 0 : index
      %swap3A_794 = tpu.vector_load %arg10[%swap3A_793] {strides = array<i32>} : memref<64xf32, #tpu.memory_space<vmem>>, vector<16xf32>,
      tpu.vector_store %arg10[%swap3A_793], %mul3A_792 {strides = array<i32>} : memref<64xf32, #tpu.memory_space<vmem>>, vector<16xf32>,
      %get3A_795 = arith.constant 16 : index
      %get3A_796 = tpu.vector_load %arg10[%get3A_795] {strides = array<i32>} : memref<64xf32, #tpu.memory_space<vmem>>, vector<16xf32>,
      %mul3A_797 = arith.mulf %get3A_796, %div3A_441 : vector<16xf32>
      %swap3A_798 = arith.constant 16 : index
      %swap3A_799 = tpu.vector_load %arg10[%swap3A_798] {strides = array<i32>} : memref<64xf32, #tpu.memory_space<vmem>>, vector<16xf32>,
      tpu.vector_store %arg10[%swap3A_798], %mul3A_797 {strides = array<i32>} : memref<64xf32, #tpu.memory_space<vmem>>, vector<16xf32>,
      %get3A_800 = arith.constant 32 : index
      %get3A_801 = tpu.vector_load %arg10[%get3A_800] {strides = array<i32>} : memref<64xf32, #tpu.memory_space<vmem>>, vector<16xf32>,
      %mul3A_802 = arith.mulf %get3A_801, %div3A_441 : vector<16xf32>
      %swap3A_803 = arith.constant 32 : index
      %swap3A_804 = tpu.vector_load %arg10[%swap3A_803] {strides = array<i32>} : memref<64xf32, #tpu.memory_space<vmem>>, vector<16xf32>,
      tpu.vector_store %arg10[%swap3A_803], %mul3A_802 {strides = array<i32>} : memref<64xf32, #tpu.memory_space<vmem>>, vector<16xf32>,
      %get3A_805 = arith.constant 48 : index
      %get3A_806 = tpu.vector_load %arg10[%get3A_805] {strides = array<i32>} : memref<64xf32, #tpu.memory_space<vmem>>, vector<16xf32>,
      %mul3A_807 = arith.mulf %get3A_806, %div3A_441 : vector<16xf32>
      %swap3A_808 = arith.constant 48 : index
      %swap3A_809 = tpu.vector_load %arg10[%swap3A_808] {strides = array<i32>} : memref<64xf32, #tpu.memory_space<vmem>>, vector<16xf32>,
      tpu.vector_store %arg10[%swap3A_808], %mul3A_807 {strides = array<i32>} : memref<64xf32, #tpu.memory_space<vmem>>, vector<16xf32>,
      "tpu.region"() ({
        %run_scoped3A = tpu.sem_alloc : memref<!tpu.dma_semaphore, #tpu.memory_space<semaphore_mem>>
        %dma_start3A_810 = arith.constant 0 : i32
        %dma_start3A_811 = tpu.memref_slice %arg4[%add3A, %dma_start3A_810] : memref<8x64xf32, #tpu.memory_space<hbm>> -> memref<1x64xf32, #tpu.memory_space<hbm>>
        %dma_start3A_812 = tpu.memref_squeeze %dma_start3A_811 : memref<1x64xf32, #tpu.memory_space<hbm>> -> memref<64xf32, #tpu.memory_space<hbm>>
        %dma_start3A_813 = arith.constant 0 : i32
        %dma_start3A_814 = tpu.memref_slice %arg4[%add3A, %dma_start3A_813] : memref<8x64xf32, #tpu.memory_space<hbm>> -> memref<1x64xf32, #tpu.memory_space<hbm>>
        %dma_start3A_815 = tpu.memref_squeeze %dma_start3A_814 : memref<1x64xf32, #tpu.memory_space<hbm>> -> memref<64xf32, #tpu.memory_space<hbm>>
        tpu.enqueue_dma source(%arg10 : memref<64xf32, #tpu.memory_space<vmem>>) target(%dma_start3A_815 : memref<64xf32, #tpu.memory_space<hbm>>) target_semaphore(%run_scoped3A : memref<!tpu.dma_semaphore, #tpu.memory_space<semaphore_mem>>)
        %dma_wait3A_816 = arith.constant 0 : i32
        %dma_wait3A_817 = tpu.memref_slice %arg4[%add3A, %dma_wait3A_816] : memref<8x64xf32, #tpu.memory_space<hbm>> -> memref<1x64xf32, #tpu.memory_space<hbm>>
        %dma_wait3A_818 = tpu.memref_squeeze %dma_wait3A_817 : memref<1x64xf32, #tpu.memory_space<hbm>> -> memref<64xf32, #tpu.memory_space<hbm>>
        %dma_wait3A_819 = arith.constant 0 : i32
        %dma_wait3A_820 = tpu.memref_slice %arg4[%add3A, %dma_wait3A_819] : memref<8x64xf32, #tpu.memory_space<hbm>> -> memref<1x64xf32, #tpu.memory_space<hbm>>
        %dma_wait3A_821 = tpu.memref_squeeze %dma_wait3A_820 : memref<1x64xf32, #tpu.memory_space<hbm>> -> memref<64xf32, #tpu.memory_space<hbm>>
        tpu.wait_dma2 semaphore(%run_scoped3A : memref<!tpu.dma_semaphore, #tpu.memory_space<semaphore_mem>>) src(%arg10 : memref<64xf32, #tpu.memory_space<vmem>>) dst(%dma_wait3A_821 : memref<64xf32, #tpu.memory_space<hbm>>)
        tpu.yield
      }) : () -> ()
    } else {
    }
    return
  }
}

module attributes {stable_mosaic.version = 14 : i64} {
  func.func @_energy_kernel(%arg0: memref<8x250x256xf32, #tpu.memory_space<vmem>>, %arg1: memref<8x4x256xf32, #tpu.memory_space<vmem>>, %arg2: memref<16x256xf32, #tpu.memory_space<vmem>>, %arg3: memref<16x256xf32, #tpu.memory_space<vmem>>, %arg4: memref<8x256xf32, #tpu.memory_space<vmem>>) attributes {dimension_semantics = [], scalar_prefetch = 0 : i64, scratch_operands = 0 : i64, tpu.core_type = #tpu.core_type<tc>} {
    %get3A = arith.constant 0 : index
    %get3A_0 = arith.constant 0 : index
    %get3A_1 = arith.constant 0 : index
    %get3A_2 = vector.load %arg0[%get3A, %get3A_0, %get3A_1] : memref<8x250x256xf32, #tpu.memory_space<vmem>>, vector<8x250x256xf32>
    %get3A_3 = arith.constant 0 : index
    %get3A_4 = arith.constant 0 : index
    %get3A_5 = arith.constant 0 : index
    %get3A_6 = vector.load %arg1[%get3A_3, %get3A_4, %get3A_5] : memref<8x4x256xf32, #tpu.memory_space<vmem>>, vector<8x4x256xf32>
    %get3A_7 = arith.constant 0 : index
    %get3A_8 = arith.constant 0 : index
    %get3A_9 = vector.load %arg2[%get3A_7, %get3A_8] : memref<16x256xf32, #tpu.memory_space<vmem>>, vector<16x256xf32>
    %get3A_10 = arith.constant 0 : index
    %get3A_11 = arith.constant 0 : index
    %get3A_12 = vector.load %arg3[%get3A_10, %get3A_11] : memref<16x256xf32, #tpu.memory_space<vmem>>, vector<16x256xf32>
    %mul3A = arith.mulf %get3A_2, %get3A_2 : vector<8x250x256xf32>
    %mul3A_13 = arith.mulf %get3A_6, %get3A_6 : vector<8x4x256xf32>
    %slice3A = vector.extract_strided_slice %get3A_9 {offsets = [0, 0], sizes = [1, 256], strides = [1, 1]} : vector<16x256xf32> to vector<1x256xf32>
    %reshape3A = vector.shape_cast %slice3A : vector<1x256xf32> to vector<1x1x256xf32>
    %slice3A_14 = vector.extract_strided_slice %get3A_9 {offsets = [4, 0], sizes = [1, 256], strides = [1, 1]} : vector<16x256xf32> to vector<1x256xf32>
    %reshape3A_15 = vector.shape_cast %slice3A_14 : vector<1x256xf32> to vector<1x1x256xf32>
    %slice3A_16 = vector.extract_strided_slice %get3A_9 {offsets = [8, 0], sizes = [1, 256], strides = [1, 1]} : vector<16x256xf32> to vector<1x256xf32>
    %reshape3A_17 = vector.shape_cast %slice3A_16 : vector<1x256xf32> to vector<1x1x256xf32>
    %slice3A_18 = vector.extract_strided_slice %get3A_12 {offsets = [0, 0], sizes = [1, 256], strides = [1, 1]} : vector<16x256xf32> to vector<1x256xf32>
    %reshape3A_19 = vector.shape_cast %slice3A_18 : vector<1x256xf32> to vector<1x1x256xf32>
    %slice3A_20 = vector.extract_strided_slice %get3A_12 {offsets = [4, 0], sizes = [1, 256], strides = [1, 1]} : vector<16x256xf32> to vector<1x256xf32>
    %reshape3A_21 = vector.shape_cast %slice3A_20 : vector<1x256xf32> to vector<1x1x256xf32>
    %slice3A_22 = vector.extract_strided_slice %get3A_12 {offsets = [8, 0], sizes = [1, 256], strides = [1, 1]} : vector<16x256xf32> to vector<1x256xf32>
    %reshape3A_23 = vector.shape_cast %slice3A_22 : vector<1x256xf32> to vector<1x1x256xf32>
    %mul3A_24 = vector.broadcast %reshape3A : vector<1x1x256xf32> to vector<8x250x256xf32>
    %mul3A_25 = arith.mulf %get3A_2, %mul3A_24 : vector<8x250x256xf32>
    %reduce_sum3A = arith.constant dense<0.000000e+00> : vector<8x250xf32>
    %reduce_sum3A_26 = vector.multi_reduction <add>, %mul3A_25, %reduce_sum3A [2] : vector<8x250x256xf32> to vector<8x250xf32>
    %mul3A_27 = vector.broadcast %reshape3A_15 : vector<1x1x256xf32> to vector<8x250x256xf32>
    %mul3A_28 = arith.mulf %get3A_2, %mul3A_27 : vector<8x250x256xf32>
    %reduce_sum3A_29 = arith.constant dense<0.000000e+00> : vector<8x250xf32>
    %reduce_sum3A_30 = vector.multi_reduction <add>, %mul3A_28, %reduce_sum3A_29 [2] : vector<8x250x256xf32> to vector<8x250xf32>
    %mul3A_31 = vector.broadcast %reshape3A_17 : vector<1x1x256xf32> to vector<8x250x256xf32>
    %mul3A_32 = arith.mulf %mul3A, %mul3A_31 : vector<8x250x256xf32>
    %reduce_sum3A_33 = arith.constant dense<0.000000e+00> : vector<8x250xf32>
    %reduce_sum3A_34 = vector.multi_reduction <add>, %mul3A_32, %reduce_sum3A_33 [2] : vector<8x250x256xf32> to vector<8x250xf32>
    %mul3A_35 = vector.broadcast %reshape3A_19 : vector<1x1x256xf32> to vector<8x4x256xf32>
    %mul3A_36 = arith.mulf %get3A_6, %mul3A_35 : vector<8x4x256xf32>
    %reduce_sum3A_37 = arith.constant dense<0.000000e+00> : vector<8x4xf32>
    %reduce_sum3A_38 = vector.multi_reduction <add>, %mul3A_36, %reduce_sum3A_37 [2] : vector<8x4x256xf32> to vector<8x4xf32>
    %mul3A_39 = vector.broadcast %reshape3A_21 : vector<1x1x256xf32> to vector<8x4x256xf32>
    %mul3A_40 = arith.mulf %get3A_6, %mul3A_39 : vector<8x4x256xf32>
    %reduce_sum3A_41 = arith.constant dense<0.000000e+00> : vector<8x4xf32>
    %reduce_sum3A_42 = vector.multi_reduction <add>, %mul3A_40, %reduce_sum3A_41 [2] : vector<8x4x256xf32> to vector<8x4xf32>
    %mul3A_43 = vector.broadcast %reshape3A_23 : vector<1x1x256xf32> to vector<8x4x256xf32>
    %mul3A_44 = arith.mulf %mul3A_13, %mul3A_43 : vector<8x4x256xf32>
    %reduce_sum3A_45 = arith.constant dense<0.000000e+00> : vector<8x4xf32>
    %reduce_sum3A_46 = vector.multi_reduction <add>, %mul3A_44, %reduce_sum3A_45 [2] : vector<8x4x256xf32> to vector<8x4xf32>
    %slice3A_47 = vector.extract_strided_slice %reduce_sum3A_38 {offsets = [0, 1], sizes = [8, 1], strides = [1, 1]} : vector<8x4xf32> to vector<8x1xf32>
    %slice3A_48 = vector.extract_strided_slice %reduce_sum3A_38 {offsets = [0, 0], sizes = [8, 1], strides = [1, 1]} : vector<8x4xf32> to vector<8x1xf32>
    %slice3A_49 = vector.extract_strided_slice %reduce_sum3A_38 {offsets = [0, 3], sizes = [8, 1], strides = [1, 1]} : vector<8x4xf32> to vector<8x1xf32>
    %slice3A_50 = vector.extract_strided_slice %reduce_sum3A_38 {offsets = [0, 2], sizes = [8, 1], strides = [1, 1]} : vector<8x4xf32> to vector<8x1xf32>
    %concatenate3A = tpu.concatenate %slice3A_47, %slice3A_48, %reduce_sum3A_26, %slice3A_49, %slice3A_50 in 1 : vector<8x1xf32>, vector<8x1xf32>, vector<8x250xf32>, vector<8x1xf32>, vector<8x1xf32> -> vector<8x254xf32>
    %slice3A_51 = vector.extract_strided_slice %reduce_sum3A_42 {offsets = [0, 1], sizes = [8, 1], strides = [1, 1]} : vector<8x4xf32> to vector<8x1xf32>
    %slice3A_52 = vector.extract_strided_slice %reduce_sum3A_42 {offsets = [0, 0], sizes = [8, 1], strides = [1, 1]} : vector<8x4xf32> to vector<8x1xf32>
    %slice3A_53 = vector.extract_strided_slice %reduce_sum3A_42 {offsets = [0, 3], sizes = [8, 1], strides = [1, 1]} : vector<8x4xf32> to vector<8x1xf32>
    %slice3A_54 = vector.extract_strided_slice %reduce_sum3A_42 {offsets = [0, 2], sizes = [8, 1], strides = [1, 1]} : vector<8x4xf32> to vector<8x1xf32>
    %concatenate3A_55 = tpu.concatenate %slice3A_51, %slice3A_52, %reduce_sum3A_30, %slice3A_53, %slice3A_54 in 1 : vector<8x1xf32>, vector<8x1xf32>, vector<8x250xf32>, vector<8x1xf32>, vector<8x1xf32> -> vector<8x254xf32>
    %slice3A_56 = vector.extract_strided_slice %reduce_sum3A_46 {offsets = [0, 1], sizes = [8, 1], strides = [1, 1]} : vector<8x4xf32> to vector<8x1xf32>
    %slice3A_57 = vector.extract_strided_slice %reduce_sum3A_46 {offsets = [0, 0], sizes = [8, 1], strides = [1, 1]} : vector<8x4xf32> to vector<8x1xf32>
    %slice3A_58 = vector.extract_strided_slice %reduce_sum3A_46 {offsets = [0, 3], sizes = [8, 1], strides = [1, 1]} : vector<8x4xf32> to vector<8x1xf32>
    %slice3A_59 = vector.extract_strided_slice %reduce_sum3A_46 {offsets = [0, 2], sizes = [8, 1], strides = [1, 1]} : vector<8x4xf32> to vector<8x1xf32>
    %concatenate3A_60 = tpu.concatenate %slice3A_56, %slice3A_57, %reduce_sum3A_34, %slice3A_58, %slice3A_59 in 1 : vector<8x1xf32>, vector<8x1xf32>, vector<8x250xf32>, vector<8x1xf32>, vector<8x1xf32> -> vector<8x254xf32>
    %slice3A_61 = vector.extract_strided_slice %get3A_9 {offsets = [1, 0], sizes = [1, 256], strides = [1, 1]} : vector<16x256xf32> to vector<1x256xf32>
    %reshape3A_62 = vector.shape_cast %slice3A_61 : vector<1x256xf32> to vector<1x1x256xf32>
    %slice3A_63 = vector.extract_strided_slice %get3A_9 {offsets = [5, 0], sizes = [1, 256], strides = [1, 1]} : vector<16x256xf32> to vector<1x256xf32>
    %reshape3A_64 = vector.shape_cast %slice3A_63 : vector<1x256xf32> to vector<1x1x256xf32>
    %slice3A_65 = vector.extract_strided_slice %get3A_9 {offsets = [9, 0], sizes = [1, 256], strides = [1, 1]} : vector<16x256xf32> to vector<1x256xf32>
    %reshape3A_66 = vector.shape_cast %slice3A_65 : vector<1x256xf32> to vector<1x1x256xf32>
    %slice3A_67 = vector.extract_strided_slice %get3A_12 {offsets = [1, 0], sizes = [1, 256], strides = [1, 1]} : vector<16x256xf32> to vector<1x256xf32>
    %reshape3A_68 = vector.shape_cast %slice3A_67 : vector<1x256xf32> to vector<1x1x256xf32>
    %slice3A_69 = vector.extract_strided_slice %get3A_12 {offsets = [5, 0], sizes = [1, 256], strides = [1, 1]} : vector<16x256xf32> to vector<1x256xf32>
    %reshape3A_70 = vector.shape_cast %slice3A_69 : vector<1x256xf32> to vector<1x1x256xf32>
    %slice3A_71 = vector.extract_strided_slice %get3A_12 {offsets = [9, 0], sizes = [1, 256], strides = [1, 1]} : vector<16x256xf32> to vector<1x256xf32>
    %reshape3A_72 = vector.shape_cast %slice3A_71 : vector<1x256xf32> to vector<1x1x256xf32>
    %mul3A_73 = vector.broadcast %reshape3A_62 : vector<1x1x256xf32> to vector<8x250x256xf32>
    %mul3A_74 = arith.mulf %get3A_2, %mul3A_73 : vector<8x250x256xf32>
    %reduce_sum3A_75 = arith.constant dense<0.000000e+00> : vector<8x250xf32>
    %reduce_sum3A_76 = vector.multi_reduction <add>, %mul3A_74, %reduce_sum3A_75 [2] : vector<8x250x256xf32> to vector<8x250xf32>
    %mul3A_77 = vector.broadcast %reshape3A_64 : vector<1x1x256xf32> to vector<8x250x256xf32>
    %mul3A_78 = arith.mulf %get3A_2, %mul3A_77 : vector<8x250x256xf32>
    %reduce_sum3A_79 = arith.constant dense<0.000000e+00> : vector<8x250xf32>
    %reduce_sum3A_80 = vector.multi_reduction <add>, %mul3A_78, %reduce_sum3A_79 [2] : vector<8x250x256xf32> to vector<8x250xf32>
    %mul3A_81 = vector.broadcast %reshape3A_66 : vector<1x1x256xf32> to vector<8x250x256xf32>
    %mul3A_82 = arith.mulf %mul3A, %mul3A_81 : vector<8x250x256xf32>
    %reduce_sum3A_83 = arith.constant dense<0.000000e+00> : vector<8x250xf32>
    %reduce_sum3A_84 = vector.multi_reduction <add>, %mul3A_82, %reduce_sum3A_83 [2] : vector<8x250x256xf32> to vector<8x250xf32>
    %mul3A_85 = vector.broadcast %reshape3A_68 : vector<1x1x256xf32> to vector<8x4x256xf32>
    %mul3A_86 = arith.mulf %get3A_6, %mul3A_85 : vector<8x4x256xf32>
    %reduce_sum3A_87 = arith.constant dense<0.000000e+00> : vector<8x4xf32>
    %reduce_sum3A_88 = vector.multi_reduction <add>, %mul3A_86, %reduce_sum3A_87 [2] : vector<8x4x256xf32> to vector<8x4xf32>
    %mul3A_89 = vector.broadcast %reshape3A_70 : vector<1x1x256xf32> to vector<8x4x256xf32>
    %mul3A_90 = arith.mulf %get3A_6, %mul3A_89 : vector<8x4x256xf32>
    %reduce_sum3A_91 = arith.constant dense<0.000000e+00> : vector<8x4xf32>
    %reduce_sum3A_92 = vector.multi_reduction <add>, %mul3A_90, %reduce_sum3A_91 [2] : vector<8x4x256xf32> to vector<8x4xf32>
    %mul3A_93 = vector.broadcast %reshape3A_72 : vector<1x1x256xf32> to vector<8x4x256xf32>
    %mul3A_94 = arith.mulf %mul3A_13, %mul3A_93 : vector<8x4x256xf32>
    %reduce_sum3A_95 = arith.constant dense<0.000000e+00> : vector<8x4xf32>
    %reduce_sum3A_96 = vector.multi_reduction <add>, %mul3A_94, %reduce_sum3A_95 [2] : vector<8x4x256xf32> to vector<8x4xf32>
    %slice3A_97 = vector.extract_strided_slice %reduce_sum3A_88 {offsets = [0, 1], sizes = [8, 1], strides = [1, 1]} : vector<8x4xf32> to vector<8x1xf32>
    %slice3A_98 = vector.extract_strided_slice %reduce_sum3A_88 {offsets = [0, 0], sizes = [8, 1], strides = [1, 1]} : vector<8x4xf32> to vector<8x1xf32>
    %slice3A_99 = vector.extract_strided_slice %reduce_sum3A_88 {offsets = [0, 3], sizes = [8, 1], strides = [1, 1]} : vector<8x4xf32> to vector<8x1xf32>
    %slice3A_100 = vector.extract_strided_slice %reduce_sum3A_88 {offsets = [0, 2], sizes = [8, 1], strides = [1, 1]} : vector<8x4xf32> to vector<8x1xf32>
    %concatenate3A_101 = tpu.concatenate %slice3A_97, %slice3A_98, %reduce_sum3A_76, %slice3A_99, %slice3A_100 in 1 : vector<8x1xf32>, vector<8x1xf32>, vector<8x250xf32>, vector<8x1xf32>, vector<8x1xf32> -> vector<8x254xf32>
    %slice3A_102 = vector.extract_strided_slice %reduce_sum3A_92 {offsets = [0, 1], sizes = [8, 1], strides = [1, 1]} : vector<8x4xf32> to vector<8x1xf32>
    %slice3A_103 = vector.extract_strided_slice %reduce_sum3A_92 {offsets = [0, 0], sizes = [8, 1], strides = [1, 1]} : vector<8x4xf32> to vector<8x1xf32>
    %slice3A_104 = vector.extract_strided_slice %reduce_sum3A_92 {offsets = [0, 3], sizes = [8, 1], strides = [1, 1]} : vector<8x4xf32> to vector<8x1xf32>
    %slice3A_105 = vector.extract_strided_slice %reduce_sum3A_92 {offsets = [0, 2], sizes = [8, 1], strides = [1, 1]} : vector<8x4xf32> to vector<8x1xf32>
    %concatenate3A_106 = tpu.concatenate %slice3A_102, %slice3A_103, %reduce_sum3A_80, %slice3A_104, %slice3A_105 in 1 : vector<8x1xf32>, vector<8x1xf32>, vector<8x250xf32>, vector<8x1xf32>, vector<8x1xf32> -> vector<8x254xf32>
    %slice3A_107 = vector.extract_strided_slice %reduce_sum3A_96 {offsets = [0, 1], sizes = [8, 1], strides = [1, 1]} : vector<8x4xf32> to vector<8x1xf32>
    %slice3A_108 = vector.extract_strided_slice %reduce_sum3A_96 {offsets = [0, 0], sizes = [8, 1], strides = [1, 1]} : vector<8x4xf32> to vector<8x1xf32>
    %slice3A_109 = vector.extract_strided_slice %reduce_sum3A_96 {offsets = [0, 3], sizes = [8, 1], strides = [1, 1]} : vector<8x4xf32> to vector<8x1xf32>
    %slice3A_110 = vector.extract_strided_slice %reduce_sum3A_96 {offsets = [0, 2], sizes = [8, 1], strides = [1, 1]} : vector<8x4xf32> to vector<8x1xf32>
    %concatenate3A_111 = tpu.concatenate %slice3A_107, %slice3A_108, %reduce_sum3A_84, %slice3A_109, %slice3A_110 in 1 : vector<8x1xf32>, vector<8x1xf32>, vector<8x250xf32>, vector<8x1xf32>, vector<8x1xf32> -> vector<8x254xf32>
    %slice3A_112 = vector.extract_strided_slice %get3A_9 {offsets = [2, 0], sizes = [1, 256], strides = [1, 1]} : vector<16x256xf32> to vector<1x256xf32>
    %reshape3A_113 = vector.shape_cast %slice3A_112 : vector<1x256xf32> to vector<1x1x256xf32>
    %slice3A_114 = vector.extract_strided_slice %get3A_9 {offsets = [6, 0], sizes = [1, 256], strides = [1, 1]} : vector<16x256xf32> to vector<1x256xf32>
    %reshape3A_115 = vector.shape_cast %slice3A_114 : vector<1x256xf32> to vector<1x1x256xf32>
    %slice3A_116 = vector.extract_strided_slice %get3A_9 {offsets = [10, 0], sizes = [1, 256], strides = [1, 1]} : vector<16x256xf32> to vector<1x256xf32>
    %reshape3A_117 = vector.shape_cast %slice3A_116 : vector<1x256xf32> to vector<1x1x256xf32>
    %slice3A_118 = vector.extract_strided_slice %get3A_12 {offsets = [2, 0], sizes = [1, 256], strides = [1, 1]} : vector<16x256xf32> to vector<1x256xf32>
    %reshape3A_119 = vector.shape_cast %slice3A_118 : vector<1x256xf32> to vector<1x1x256xf32>
    %slice3A_120 = vector.extract_strided_slice %get3A_12 {offsets = [6, 0], sizes = [1, 256], strides = [1, 1]} : vector<16x256xf32> to vector<1x256xf32>
    %reshape3A_121 = vector.shape_cast %slice3A_120 : vector<1x256xf32> to vector<1x1x256xf32>
    %slice3A_122 = vector.extract_strided_slice %get3A_12 {offsets = [10, 0], sizes = [1, 256], strides = [1, 1]} : vector<16x256xf32> to vector<1x256xf32>
    %reshape3A_123 = vector.shape_cast %slice3A_122 : vector<1x256xf32> to vector<1x1x256xf32>
    %mul3A_124 = vector.broadcast %reshape3A_113 : vector<1x1x256xf32> to vector<8x250x256xf32>
    %mul3A_125 = arith.mulf %get3A_2, %mul3A_124 : vector<8x250x256xf32>
    %reduce_sum3A_126 = arith.constant dense<0.000000e+00> : vector<8x250xf32>
    %reduce_sum3A_127 = vector.multi_reduction <add>, %mul3A_125, %reduce_sum3A_126 [2] : vector<8x250x256xf32> to vector<8x250xf32>
    %mul3A_128 = vector.broadcast %reshape3A_115 : vector<1x1x256xf32> to vector<8x250x256xf32>
    %mul3A_129 = arith.mulf %get3A_2, %mul3A_128 : vector<8x250x256xf32>
    %reduce_sum3A_130 = arith.constant dense<0.000000e+00> : vector<8x250xf32>
    %reduce_sum3A_131 = vector.multi_reduction <add>, %mul3A_129, %reduce_sum3A_130 [2] : vector<8x250x256xf32> to vector<8x250xf32>
    %mul3A_132 = vector.broadcast %reshape3A_117 : vector<1x1x256xf32> to vector<8x250x256xf32>
    %mul3A_133 = arith.mulf %mul3A, %mul3A_132 : vector<8x250x256xf32>
    %reduce_sum3A_134 = arith.constant dense<0.000000e+00> : vector<8x250xf32>
    %reduce_sum3A_135 = vector.multi_reduction <add>, %mul3A_133, %reduce_sum3A_134 [2] : vector<8x250x256xf32> to vector<8x250xf32>
    %mul3A_136 = vector.broadcast %reshape3A_119 : vector<1x1x256xf32> to vector<8x4x256xf32>
    %mul3A_137 = arith.mulf %get3A_6, %mul3A_136 : vector<8x4x256xf32>
    %reduce_sum3A_138 = arith.constant dense<0.000000e+00> : vector<8x4xf32>
    %reduce_sum3A_139 = vector.multi_reduction <add>, %mul3A_137, %reduce_sum3A_138 [2] : vector<8x4x256xf32> to vector<8x4xf32>
    %mul3A_140 = vector.broadcast %reshape3A_121 : vector<1x1x256xf32> to vector<8x4x256xf32>
    %mul3A_141 = arith.mulf %get3A_6, %mul3A_140 : vector<8x4x256xf32>
    %reduce_sum3A_142 = arith.constant dense<0.000000e+00> : vector<8x4xf32>
    %reduce_sum3A_143 = vector.multi_reduction <add>, %mul3A_141, %reduce_sum3A_142 [2] : vector<8x4x256xf32> to vector<8x4xf32>
    %mul3A_144 = vector.broadcast %reshape3A_123 : vector<1x1x256xf32> to vector<8x4x256xf32>
    %mul3A_145 = arith.mulf %mul3A_13, %mul3A_144 : vector<8x4x256xf32>
    %reduce_sum3A_146 = arith.constant dense<0.000000e+00> : vector<8x4xf32>
    %reduce_sum3A_147 = vector.multi_reduction <add>, %mul3A_145, %reduce_sum3A_146 [2] : vector<8x4x256xf32> to vector<8x4xf32>
    %slice3A_148 = vector.extract_strided_slice %reduce_sum3A_139 {offsets = [0, 1], sizes = [8, 1], strides = [1, 1]} : vector<8x4xf32> to vector<8x1xf32>
    %slice3A_149 = vector.extract_strided_slice %reduce_sum3A_139 {offsets = [0, 0], sizes = [8, 1], strides = [1, 1]} : vector<8x4xf32> to vector<8x1xf32>
    %slice3A_150 = vector.extract_strided_slice %reduce_sum3A_139 {offsets = [0, 3], sizes = [8, 1], strides = [1, 1]} : vector<8x4xf32> to vector<8x1xf32>
    %slice3A_151 = vector.extract_strided_slice %reduce_sum3A_139 {offsets = [0, 2], sizes = [8, 1], strides = [1, 1]} : vector<8x4xf32> to vector<8x1xf32>
    %concatenate3A_152 = tpu.concatenate %slice3A_148, %slice3A_149, %reduce_sum3A_127, %slice3A_150, %slice3A_151 in 1 : vector<8x1xf32>, vector<8x1xf32>, vector<8x250xf32>, vector<8x1xf32>, vector<8x1xf32> -> vector<8x254xf32>
    %slice3A_153 = vector.extract_strided_slice %reduce_sum3A_143 {offsets = [0, 1], sizes = [8, 1], strides = [1, 1]} : vector<8x4xf32> to vector<8x1xf32>
    %slice3A_154 = vector.extract_strided_slice %reduce_sum3A_143 {offsets = [0, 0], sizes = [8, 1], strides = [1, 1]} : vector<8x4xf32> to vector<8x1xf32>
    %slice3A_155 = vector.extract_strided_slice %reduce_sum3A_143 {offsets = [0, 3], sizes = [8, 1], strides = [1, 1]} : vector<8x4xf32> to vector<8x1xf32>
    %slice3A_156 = vector.extract_strided_slice %reduce_sum3A_143 {offsets = [0, 2], sizes = [8, 1], strides = [1, 1]} : vector<8x4xf32> to vector<8x1xf32>
    %concatenate3A_157 = tpu.concatenate %slice3A_153, %slice3A_154, %reduce_sum3A_131, %slice3A_155, %slice3A_156 in 1 : vector<8x1xf32>, vector<8x1xf32>, vector<8x250xf32>, vector<8x1xf32>, vector<8x1xf32> -> vector<8x254xf32>
    %slice3A_158 = vector.extract_strided_slice %reduce_sum3A_147 {offsets = [0, 1], sizes = [8, 1], strides = [1, 1]} : vector<8x4xf32> to vector<8x1xf32>
    %slice3A_159 = vector.extract_strided_slice %reduce_sum3A_147 {offsets = [0, 0], sizes = [8, 1], strides = [1, 1]} : vector<8x4xf32> to vector<8x1xf32>
    %slice3A_160 = vector.extract_strided_slice %reduce_sum3A_147 {offsets = [0, 3], sizes = [8, 1], strides = [1, 1]} : vector<8x4xf32> to vector<8x1xf32>
    %slice3A_161 = vector.extract_strided_slice %reduce_sum3A_147 {offsets = [0, 2], sizes = [8, 1], strides = [1, 1]} : vector<8x4xf32> to vector<8x1xf32>
    %concatenate3A_162 = tpu.concatenate %slice3A_158, %slice3A_159, %reduce_sum3A_135, %slice3A_160, %slice3A_161 in 1 : vector<8x1xf32>, vector<8x1xf32>, vector<8x250xf32>, vector<8x1xf32>, vector<8x1xf32> -> vector<8x254xf32>
    %slice3A_163 = vector.extract_strided_slice %get3A_9 {offsets = [3, 0], sizes = [1, 256], strides = [1, 1]} : vector<16x256xf32> to vector<1x256xf32>
    %reshape3A_164 = vector.shape_cast %slice3A_163 : vector<1x256xf32> to vector<1x1x256xf32>
    %slice3A_165 = vector.extract_strided_slice %get3A_9 {offsets = [7, 0], sizes = [1, 256], strides = [1, 1]} : vector<16x256xf32> to vector<1x256xf32>
    %reshape3A_166 = vector.shape_cast %slice3A_165 : vector<1x256xf32> to vector<1x1x256xf32>
    %slice3A_167 = vector.extract_strided_slice %get3A_9 {offsets = [11, 0], sizes = [1, 256], strides = [1, 1]} : vector<16x256xf32> to vector<1x256xf32>
    %reshape3A_168 = vector.shape_cast %slice3A_167 : vector<1x256xf32> to vector<1x1x256xf32>
    %slice3A_169 = vector.extract_strided_slice %get3A_12 {offsets = [3, 0], sizes = [1, 256], strides = [1, 1]} : vector<16x256xf32> to vector<1x256xf32>
    %reshape3A_170 = vector.shape_cast %slice3A_169 : vector<1x256xf32> to vector<1x1x256xf32>
    %slice3A_171 = vector.extract_strided_slice %get3A_12 {offsets = [7, 0], sizes = [1, 256], strides = [1, 1]} : vector<16x256xf32> to vector<1x256xf32>
    %reshape3A_172 = vector.shape_cast %slice3A_171 : vector<1x256xf32> to vector<1x1x256xf32>
    %slice3A_173 = vector.extract_strided_slice %get3A_12 {offsets = [11, 0], sizes = [1, 256], strides = [1, 1]} : vector<16x256xf32> to vector<1x256xf32>
    %reshape3A_174 = vector.shape_cast %slice3A_173 : vector<1x256xf32> to vector<1x1x256xf32>
    %mul3A_175 = vector.broadcast %reshape3A_164 : vector<1x1x256xf32> to vector<8x250x256xf32>
    %mul3A_176 = arith.mulf %get3A_2, %mul3A_175 : vector<8x250x256xf32>
    %reduce_sum3A_177 = arith.constant dense<0.000000e+00> : vector<8x250xf32>
    %reduce_sum3A_178 = vector.multi_reduction <add>, %mul3A_176, %reduce_sum3A_177 [2] : vector<8x250x256xf32> to vector<8x250xf32>
    %mul3A_179 = vector.broadcast %reshape3A_166 : vector<1x1x256xf32> to vector<8x250x256xf32>
    %mul3A_180 = arith.mulf %get3A_2, %mul3A_179 : vector<8x250x256xf32>
    %reduce_sum3A_181 = arith.constant dense<0.000000e+00> : vector<8x250xf32>
    %reduce_sum3A_182 = vector.multi_reduction <add>, %mul3A_180, %reduce_sum3A_181 [2] : vector<8x250x256xf32> to vector<8x250xf32>
    %mul3A_183 = vector.broadcast %reshape3A_168 : vector<1x1x256xf32> to vector<8x250x256xf32>
    %mul3A_184 = arith.mulf %mul3A, %mul3A_183 : vector<8x250x256xf32>
    %reduce_sum3A_185 = arith.constant dense<0.000000e+00> : vector<8x250xf32>
    %reduce_sum3A_186 = vector.multi_reduction <add>, %mul3A_184, %reduce_sum3A_185 [2] : vector<8x250x256xf32> to vector<8x250xf32>
    %mul3A_187 = vector.broadcast %reshape3A_170 : vector<1x1x256xf32> to vector<8x4x256xf32>
    %mul3A_188 = arith.mulf %get3A_6, %mul3A_187 : vector<8x4x256xf32>
    %reduce_sum3A_189 = arith.constant dense<0.000000e+00> : vector<8x4xf32>
    %reduce_sum3A_190 = vector.multi_reduction <add>, %mul3A_188, %reduce_sum3A_189 [2] : vector<8x4x256xf32> to vector<8x4xf32>
    %mul3A_191 = vector.broadcast %reshape3A_172 : vector<1x1x256xf32> to vector<8x4x256xf32>
    %mul3A_192 = arith.mulf %get3A_6, %mul3A_191 : vector<8x4x256xf32>
    %reduce_sum3A_193 = arith.constant dense<0.000000e+00> : vector<8x4xf32>
    %reduce_sum3A_194 = vector.multi_reduction <add>, %mul3A_192, %reduce_sum3A_193 [2] : vector<8x4x256xf32> to vector<8x4xf32>
    %mul3A_195 = vector.broadcast %reshape3A_174 : vector<1x1x256xf32> to vector<8x4x256xf32>
    %mul3A_196 = arith.mulf %mul3A_13, %mul3A_195 : vector<8x4x256xf32>
    %reduce_sum3A_197 = arith.constant dense<0.000000e+00> : vector<8x4xf32>
    %reduce_sum3A_198 = vector.multi_reduction <add>, %mul3A_196, %reduce_sum3A_197 [2] : vector<8x4x256xf32> to vector<8x4xf32>
    %slice3A_199 = vector.extract_strided_slice %reduce_sum3A_190 {offsets = [0, 1], sizes = [8, 1], strides = [1, 1]} : vector<8x4xf32> to vector<8x1xf32>
    %slice3A_200 = vector.extract_strided_slice %reduce_sum3A_190 {offsets = [0, 0], sizes = [8, 1], strides = [1, 1]} : vector<8x4xf32> to vector<8x1xf32>
    %slice3A_201 = vector.extract_strided_slice %reduce_sum3A_190 {offsets = [0, 3], sizes = [8, 1], strides = [1, 1]} : vector<8x4xf32> to vector<8x1xf32>
    %slice3A_202 = vector.extract_strided_slice %reduce_sum3A_190 {offsets = [0, 2], sizes = [8, 1], strides = [1, 1]} : vector<8x4xf32> to vector<8x1xf32>
    %concatenate3A_203 = tpu.concatenate %slice3A_199, %slice3A_200, %reduce_sum3A_178, %slice3A_201, %slice3A_202 in 1 : vector<8x1xf32>, vector<8x1xf32>, vector<8x250xf32>, vector<8x1xf32>, vector<8x1xf32> -> vector<8x254xf32>
    %slice3A_204 = vector.extract_strided_slice %reduce_sum3A_194 {offsets = [0, 1], sizes = [8, 1], strides = [1, 1]} : vector<8x4xf32> to vector<8x1xf32>
    %slice3A_205 = vector.extract_strided_slice %reduce_sum3A_194 {offsets = [0, 0], sizes = [8, 1], strides = [1, 1]} : vector<8x4xf32> to vector<8x1xf32>
    %slice3A_206 = vector.extract_strided_slice %reduce_sum3A_194 {offsets = [0, 3], sizes = [8, 1], strides = [1, 1]} : vector<8x4xf32> to vector<8x1xf32>
    %slice3A_207 = vector.extract_strided_slice %reduce_sum3A_194 {offsets = [0, 2], sizes = [8, 1], strides = [1, 1]} : vector<8x4xf32> to vector<8x1xf32>
    %concatenate3A_208 = tpu.concatenate %slice3A_204, %slice3A_205, %reduce_sum3A_182, %slice3A_206, %slice3A_207 in 1 : vector<8x1xf32>, vector<8x1xf32>, vector<8x250xf32>, vector<8x1xf32>, vector<8x1xf32> -> vector<8x254xf32>
    %slice3A_209 = vector.extract_strided_slice %reduce_sum3A_198 {offsets = [0, 1], sizes = [8, 1], strides = [1, 1]} : vector<8x4xf32> to vector<8x1xf32>
    %slice3A_210 = vector.extract_strided_slice %reduce_sum3A_198 {offsets = [0, 0], sizes = [8, 1], strides = [1, 1]} : vector<8x4xf32> to vector<8x1xf32>
    %slice3A_211 = vector.extract_strided_slice %reduce_sum3A_198 {offsets = [0, 3], sizes = [8, 1], strides = [1, 1]} : vector<8x4xf32> to vector<8x1xf32>
    %slice3A_212 = vector.extract_strided_slice %reduce_sum3A_198 {offsets = [0, 2], sizes = [8, 1], strides = [1, 1]} : vector<8x4xf32> to vector<8x1xf32>
    %concatenate3A_213 = tpu.concatenate %slice3A_209, %slice3A_210, %reduce_sum3A_186, %slice3A_211, %slice3A_212 in 1 : vector<8x1xf32>, vector<8x1xf32>, vector<8x250xf32>, vector<8x1xf32>, vector<8x1xf32> -> vector<8x254xf32>
    %slice3A_214 = vector.extract_strided_slice %concatenate3A {offsets = [0, 0], sizes = [8, 251], strides = [1, 1]} : vector<8x254xf32> to vector<8x251xf32>
    %slice3A_215 = vector.extract_strided_slice %concatenate3A_101 {offsets = [0, 1], sizes = [8, 251], strides = [1, 1]} : vector<8x254xf32> to vector<8x251xf32>
    %add3A = arith.addf %slice3A_214, %slice3A_215 : vector<8x251xf32>
    %slice3A_216 = vector.extract_strided_slice %concatenate3A_152 {offsets = [0, 2], sizes = [8, 251], strides = [1, 1]} : vector<8x254xf32> to vector<8x251xf32>
    %add3A_217 = arith.addf %add3A, %slice3A_216 : vector<8x251xf32>
    %slice3A_218 = vector.extract_strided_slice %concatenate3A_203 {offsets = [0, 3], sizes = [8, 251], strides = [1, 1]} : vector<8x254xf32> to vector<8x251xf32>
    %add3A_219 = arith.addf %add3A_217, %slice3A_218 : vector<8x251xf32>
    %slice3A_220 = vector.extract_strided_slice %concatenate3A_55 {offsets = [0, 0], sizes = [8, 251], strides = [1, 1]} : vector<8x254xf32> to vector<8x251xf32>
    %slice3A_221 = vector.extract_strided_slice %concatenate3A_106 {offsets = [0, 1], sizes = [8, 251], strides = [1, 1]} : vector<8x254xf32> to vector<8x251xf32>
    %add3A_222 = arith.addf %slice3A_220, %slice3A_221 : vector<8x251xf32>
    %slice3A_223 = vector.extract_strided_slice %concatenate3A_157 {offsets = [0, 2], sizes = [8, 251], strides = [1, 1]} : vector<8x254xf32> to vector<8x251xf32>
    %add3A_224 = arith.addf %add3A_222, %slice3A_223 : vector<8x251xf32>
    %slice3A_225 = vector.extract_strided_slice %concatenate3A_208 {offsets = [0, 3], sizes = [8, 251], strides = [1, 1]} : vector<8x254xf32> to vector<8x251xf32>
    %add3A_226 = arith.addf %add3A_224, %slice3A_225 : vector<8x251xf32>
    %slice3A_227 = vector.extract_strided_slice %concatenate3A_60 {offsets = [0, 0], sizes = [8, 251], strides = [1, 1]} : vector<8x254xf32> to vector<8x251xf32>
    %slice3A_228 = vector.extract_strided_slice %concatenate3A_111 {offsets = [0, 1], sizes = [8, 251], strides = [1, 1]} : vector<8x254xf32> to vector<8x251xf32>
    %add3A_229 = arith.addf %slice3A_227, %slice3A_228 : vector<8x251xf32>
    %slice3A_230 = vector.extract_strided_slice %concatenate3A_162 {offsets = [0, 2], sizes = [8, 251], strides = [1, 1]} : vector<8x254xf32> to vector<8x251xf32>
    %add3A_231 = arith.addf %add3A_229, %slice3A_230 : vector<8x251xf32>
    %slice3A_232 = vector.extract_strided_slice %concatenate3A_213 {offsets = [0, 3], sizes = [8, 251], strides = [1, 1]} : vector<8x254xf32> to vector<8x251xf32>
    %add3A_233 = arith.addf %add3A_231, %slice3A_232 : vector<8x251xf32>
    %mul3A_234 = arith.constant 1.024000e+03 : f32
    %mul3A_235 = vector.broadcast %mul3A_234 : f32 to vector<8x251xf32>
    %mul3A_236 = arith.mulf %mul3A_235, %add3A_233 : vector<8x251xf32>
    %mul3A_237 = arith.mulf %add3A_219, %add3A_219 : vector<8x251xf32>
    %add3A_238 = arith.addf %mul3A_236, %mul3A_237 : vector<8x251xf32>
    %mul3A_239 = arith.mulf %add3A_226, %add3A_226 : vector<8x251xf32>
    %add3A_240 = arith.addf %add3A_238, %mul3A_239 : vector<8x251xf32>
    %mul3A_241 = arith.constant 5.000000e-01 : f32
    %mul3A_242 = vector.broadcast %mul3A_241 : f32 to vector<8x251xf32>
    %mul3A_243 = arith.mulf %mul3A_242, %add3A_240 : vector<8x251xf32>
    %max3A = arith.constant 1.000000e-10 : f32
    %max3A_244 = vector.broadcast %max3A : f32 to vector<8x251xf32>
    %max3A_245 = arith.maximumf %mul3A_243, %max3A_244 : vector<8x251xf32>
    %sqrt3A = math.sqrt %max3A_245 : vector<8x251xf32>
    %broadcast_in_dim3A = arith.constant 0.000000e+00 : f32
    %broadcast_in_dim3A_246 = vector.broadcast %broadcast_in_dim3A : f32 to vector<8x256xf32>
    %swap3A = arith.constant 0 : index
    %swap3A_247 = arith.constant 0 : index
    %swap3A_248 = vector.load %arg4[%swap3A, %swap3A_247] : memref<8x256xf32, #tpu.memory_space<vmem>>, vector<8x256xf32>
    tpu.vector_store %arg4[%swap3A, %swap3A_247], %broadcast_in_dim3A_246 {strides = array<i32>} : memref<8x256xf32, #tpu.memory_space<vmem>>, vector<8x256xf32>,
    %swap3A_249 = arith.constant 0 : index
    %swap3A_250 = arith.constant 0 : index
    %swap3A_251 = vector.load %arg4[%swap3A_249, %swap3A_250] : memref<8x256xf32, #tpu.memory_space<vmem>>, vector<8x251xf32>
    tpu.vector_store %arg4[%swap3A_249, %swap3A_250], %sqrt3A {strides = array<i32>} : memref<8x256xf32, #tpu.memory_space<vmem>>, vector<8x251xf32>,
    return
  }
}

</mosaic_0001>

<sc_bundles>
// kernel: kernel.4.cloned.1.call-start
scs
__scs_entry_jumppad:
0x0: {  	(pc) =	sbr.rel $0x88, $3  }
0x1: {  	(tag) =	ssettag $0x0;
	lr =	simm.s32 $0x1  }
0x2: {  	[smem:$0x3F9E] =	sst lr;
	_ =	strace $0xD0000000  }
0x3: {  	_ = 	snop  }
0x4: {  	_ = 	snop  }
0x5: {  	_ = 	snop  }
0x6: {  	_ = 	snop  }
0x7: {  	_ = 	snop  }
__scs_overlays_trampoline_lowered:
0x8: {  	[smem:$0x3FAD] =	sst s0  }
0x9: {  	[smem:$0x3FAE] =	sst s1  }
0xa: {  	[smem:$0x3FAF] =	sst s2  }
0xb: {  	[smem:$0x3FB0] =	sst s3  }
0xc: {  	[smem:$0x3FB1] =	sst s4  }
0xd: {  	[smem:$0x3FB2] =	sst s5  }
0xe: {  	[smem:$0x3FB3] =	sst s6  }
0xf: {  	[smem:$0x3FB4] =	sst s7  }
0x10: {  	[smem:$0x3FB5] =	sst s8  }
0x11: {  	[smem:$0x3FB6] =	sst s9;
	s0 =	simm.s32 @!p0 $0x0  }
0x12: {  	s1 =	sld [smem:$0x3F9C];
	s0 =	simm.s32 @p0 $0x1  }
0x13: {  	[smem:$0x3FB7] =	sst s0;
	s0 =	simm.s32 @!p1 $0x0  }
0x14: {  	s2 =	sld [smem:$0x3F9B];
	s0 =	simm.s32 @p1 $0x1  }
0x15: {  	[smem:$0x3FB8] =	sst s0;
	s0 =	simm.s32 @!p2 $0x0  }
0x16: {  	s3 =	sld [smem:$0x3FDB];
	s0 =	simm.s32 @p2 $0x1  }
0x17: {  	s4 =	simm.s32 $0x1BF5;
	[smem:$0x3FBA] =	sst s0  }
0x18: {  	s0 =	sld [smem:$0x3F9D];
	_ =	swait.ge [sflag:s4], $0x0  }
0x19: {  	s7 =	sld [smem:$0x3F9E]  }
0x1a: {  	s8 =	sadd.s32 $0xFFFFE003, lr  }
0x1b: {  	s9 =	sadd.s32 $0xFFFFFEF7, lr;
	s5 =	simm.s32 $0xFFFFFFFF;
	p2 =	slt.u32 s8, $0xFFFFF086  }
0x1c: {  	p1 =	slt.u32 s9, $0xF7A;
	s5 =	simm.s32 @!p2 $0x0  }
0x1d: {  	s5 =	simm.s32 @p1 $0x1;
	p0 =	seq.s32 s7, s2  }
0x1e: {  	s7 =	smul.u32 @!p0 $0xF7A, s2;
	p2 =	seq.s32 @!p0 s5, $0x0  }
0x1f: {  	s9 =	smul.u32 $0xF7A, s1;
	s8 =	simm.s32 @!p0 $0x1BF5;
	p2 =	por !p2, p0  }
0x20: {  	[sflag:s8] =	ssyncset.s32 @!p0 $0xFFFFF086;
	s6 =	sadd.s32 @!p0 s3, s7;
	s7 =	simm.s32 @!p0 $0x108  }
0x21: {  	s3 =	sadd.s32 s3, s9;
	s6 =	sadd.s32 @!p0 $0x88, s6;
	s7 =	simm.s32 @p2 $0x1082  }
0x22: {  	[simem:s7], [sflag:s8] =	dma.local @!p0 [hbm:s6], $0xF7A  }
0x23: {  	s9 =	sor.u32 $0xD0000000, s2;
	s6 =	simm.s32 $0x108;
	_ =	swait.ge @!p0 [sflag:s8], $0x0  }
0x24: {  	s3 =	sadd.s32 $0x88, s3;
	s6 =	simm.s32 @!p1 $0x1082;
	[sflag:s4] =	ssyncset.s32 $0xFFFFF086  }
0x25: {  	[simem:s6], [sflag:s4] =	dma.local [hbm:s3], $0xF7A  }
0x26: {  	[smem:$0x3F9E] =	sst s1;
	(tag) =	ssettag s2;
	_ =	strace s9  }
0x27: {  	s1 =	sld [smem:$0x3FAE]  }
0x28: {  	s2 =	sld [smem:$0x3FAF]  }
0x29: {  	s4 =	sld [smem:$0x3FB1]  }
0x2a: {  	p0 =	seq.s32 s5, $0x0;
	s5 =	sld [smem:$0x3FB2]  }
0x2b: {  	s6 =	sld [smem:$0x3FB3]  }
0x2c: {  	s7 =	sld [smem:$0x3FB4]  }
0x2d: {  	s3 =	simm.s32 $0x108;
	s8 =	sld [smem:$0x3FB5]  }
0x2e: {  	s3 =	simm.s32 @!p0 $0x1082;
	s9 =	sld [smem:$0x3FB6]  }
0x2f: {  	lr =	sadd.s32 s0, s3;
	s0 =	sld [smem:$0x3FAD]  }
0x30: {  	s3 =	sld [smem:$0x3FB0]  }
0x31: {  	[smem:$0x3FB9] =	sst s10  }
0x32: {  	s10 =	sld [smem:$0x3FB7];
	_ =	sdelay $0x3  }
0x33: {  	p0 =	seq.s32 s10, $0x1;
	s10 =	sld [smem:$0x3FB9];
	_ =	sdelay $0x3  }
0x34: {  	[smem:$0x3FB9] =	sst s10  }
0x35: {  	s10 =	sld [smem:$0x3FB8];
	_ =	sdelay $0x3  }
0x36: {  	p1 =	seq.s32 s10, $0x1;
	s10 =	sld [smem:$0x3FB9];
	_ =	sdelay $0x3  }
0x37: {  	[smem:$0x3FB9] =	sst s10  }
0x38: {  	s10 =	sld [smem:$0x3FBA]  }
0x39: {  	_ = 	snop;
	(pc) =	sbr.ind lr, $3  }
0x3a: {  	_ = 	snop  }
0x3b: {  	_ = 	snop  }
0x3c: {  	p2 =	seq.s32 s10, $0x1;
	s10 =	sld [smem:$0x3FB9]  }
0x3d: {  	_ =	shalt  }
0x3e: {  	_ =	shalt  }
0x3f: {  	_ =	shalt  }
0x40: {  	_ =	shalt  }
0x41: {  	_ =	shalt  }
0x42: {  	_ =	shalt  }
0x43: {  	_ =	shalt  }
0x44: {  	_ =	shalt  }
0x45: {  	_ =	shalt  }
0x46: {  	_ =	shalt  }
0x47: {  	_ =	shalt  }
0x48: {  	_ =	shalt  }
0x49: {  	_ =	shalt  }
0x4a: {  	_ =	shalt  }
0x4b: {  	_ =	shalt  }
0x4c: {  	_ =	shalt  }
0x4d: {  	_ =	shalt  }
0x4e: {  	_ =	shalt  }
0x4f: {  	_ =	shalt  }
0x50: {  	_ =	shalt  }
0x51: {  	_ =	shalt  }
0x52: {  	_ =	shalt  }
0x53: {  	_ =	shalt  }
0x54: {  	_ =	shalt  }
0x55: {  	_ =	shalt  }
0x56: {  	_ =	shalt  }
0x57: {  	_ =	shalt  }
0x58: {  	_ =	shalt  }
0x59: {  	_ =	shalt  }
0x5a: {  	_ =	shalt  }
0x5b: {  	_ =	shalt  }
0x5c: {  	_ =	shalt  }
0x5d: {  	_ =	shalt  }
0x5e: {  	_ =	shalt  }
0x5f: {  	_ =	shalt  }
0x60: {  	_ =	shalt  }
0x61: {  	_ =	shalt  }
0x62: {  	_ =	shalt  }
0x63: {  	_ =	shalt  }
0x64: {  	_ =	shalt  }
0x65: {  	_ =	shalt  }
0x66: {  	_ =	shalt  }
0x67: {  	_ =	shalt  }
0x68: {  	_ =	shalt  }
0x69: {  	_ =	shalt  }
0x6a: {  	_ =	shalt  }
0x6b: {  	_ =	shalt  }
0x6c: {  	_ =	shalt  }
0x6d: {  	_ =	shalt  }
0x6e: {  	_ =	shalt  }
0x6f: {  	_ =	shalt  }
0x70: {  	_ =	shalt  }
0x71: {  	_ =	shalt  }
0x72: {  	_ =	shalt  }
0x73: {  	_ =	shalt  }
0x74: {  	_ =	shalt  }
0x75: {  	_ =	shalt  }
0x76: {  	_ =	shalt  }
0x77: {  	_ =	shalt  }
0x78: {  	_ =	shalt  }
0x79: {  	_ =	shalt  }
0x7a: {  	_ =	shalt  }
0x7b: {  	_ =	shalt  }
0x7c: {  	_ =	shalt  }
0x7d: {  	_ =	shalt  }
0x7e: {  	_ =	shalt  }
0x7f: {  	_ =	shalt  }
0x80: {  	_ =	shalt  }
0x81: {  	_ =	shalt  }
0x82: {  	_ =	shalt  }
0x83: {  	_ =	shalt  }
0x84: {  	_ =	shalt  }
0x85: {  	_ =	shalt  }
0x86: {  	_ =	shalt  }
0x87: {  	_ =	shalt  }
.Lfunc_end0:
.L_simem_size_0:
called_computation_lowered:
.L_overlay_start_0:
0x88: {  	s0 =	sld [smem:$0x3FD9]  }
0x89: {  	s1 =	sld [smem:$0x3FFE];
	_ =	sdelay $0x3  }
0x8a: {  	s0 =	sadd.s32 s1, s0  }
0x8b: {  	[smem:$0x3FC5] =	sst s0  }
0x8c: {  	_ = 	snop  }
0x8d: {  	s0 =	sld [smem:$0x3FD0];
	_ =	sdelay $0x2  }
0x8e: {  	s13 =	simm.s32 $0xA;
	s2 =	simm.s32 $0x10  }
0x8f: {  	[smem:s2], [sflag:s13] =	dma.local [hbm:s0], $0x1  }
0x90: {  	_ =	swait.eq [sflag:s13], $0x1  }
0x91: {  	[sflag:s13] =	ssyncset.done $0x0  }
0x92: {  	[sflag:s13] =	ssyncadd.s32 $0xFFFFFFFF  }
0x93: {  	s14 =	sld [smem:$0x10];
	(tm) =	ssettm $0x1  }
0x94: {  	s15 =	sld [smem:$0x3FFB];
	_ =	sdelay $0x3  }
0x95: {  	_ =	strace s15  }
0x96: {  	s1 =	sld [smem:$0x3FFC];
	_ =	sdelay $0x3  }
0x97: {  	_ =	strace s1  }
0x98: {  	s1 =	sld [smem:$0x3FFD];
	_ =	sdelay $0x3  }
0x99: {  	_ =	strace s1  }
0x9a: {  	_ =	strace $0x8FFFFFFF  }
0x9b: {  	s16 =	sld [smem:$0x3FDB];
	_ =	sdelay $0x1  }
0x9c: {  	s17 =	simm.s32 $_scs_section_size  }
0x9d: {  	s3 =	simm.s32 $_size__tile_overlayer_lowered;
	s4 =	simm.s32 $_tile_overlayer_lowered  }
0x9e: {  	s20 =	simm.s32 $0x1BFF;
	s19 =	sshll.u32 s4, $0x1;
	s1 =	sadd.s32 s17, s16  }
0x9f: {  	s5 =	simm.s32 $0x0;
	s18 =	sshll.u32 s3, $0x1;
	s3 =	sadd.s32 s19, s1  }
0xa0: {  	[timem:s5], [sflag:s20] =	dma.local [hbm:s3], s18  }
0xa1: {  	_ =	swait.ge [sflag:s20], s18  }
0xa2: {  	s2 =	ssub.s32 $0x0, s18;
	[sflag:s20] =	ssyncset.done $0x0  }
0xa3: {  	[sflag:s20] =	ssyncadd.s32 s2;
	_ =	sdelay $0x1  }
0xa4: {  	s21 =	simm.s32 $0x1B8B  }
0xa5: {  	_ =	swait.ge [sflag:s21], $0x1  }
0xa6: {  	[sflag:s21] =	ssyncset.done $0x0  }
0xa7: {  	s23 =	simm.s32 $0x1B8E;
	s22 =	sld [smem:$0x3FFE];
	[sflag:s21] =	ssyncadd.s32 $0xFFFFFFFF  }
0xa8: {  	s24 =	simm.s32 $execute0_lowered;
	[smem:$0x3FD2] =	sst s23  }
0xa9: {  	s3 =	sshll.u32 s24, $0x1;
	_ =	strace $0x80000046;
	[dreg:$0x1] =	wrdreg $0xFFFFFFFF  }
0xaa: {  	s25 =	simm.s32 $_size_execute0_lowered;
	s1 =	sadd.s32 s1, s3;
	[dreg:$0x0] =	wrdreg $0x0  }
0xab: {  	s3 =	sshll.u32 s25, $0x1;
	[dreg:$0x2] =	wrdreg s1  }
0xac: {  	[dreg:$0x3] =	wrdreg s3  }
0xad: {  	[dreg:$0x4] =	wrdreg $0xC0  }
0xae: {  	_ =	task [dreg:s5], $0x5FFFF  }
0xaf: {  	[dreg:$0x1] =	wrdreg $0xFFFFFFFF  }
0xb0: {  	[dreg:$0x0] =	wrdreg $0x60  }
0xb1: {  	[dreg:$0x2] =	wrdreg s22  }
0xb2: {  	[dreg:$0x3] =	wrdreg s14  }
0xb3: {  	[dreg:$0x4] =	wrdreg $0x9  }
0xb4: {  	_ =	task.clear_ibuf [dreg:s5], $0x5FFFF;
	_ =	strace $0x90000046  }
0xb5: {  	s26 =	simm.s32 $0x9;
	_ =	strace $0x80000048  }
0xb6: {  	_ =	swait.ge [sflag:s26], $0x1  }
0xb7: {  	[sflag:s26] =	ssyncadd.s32 $0xFFFFFFFF  }
0xb8: {  	_ =	strace $0x90000048  }
0xb9: {  	_ =	sfence  }
0xba: {  	s28 =	sld [smem:$0x0];
	_ =	sdelay $0x1  }
0xbb: {  	s29 =	srdreg.scid  }
0xbc: {  	s30 =	sshll.u32 s29, $0xD;
	s31 =	sshrl.u32 s29, $0x2  }
0xbd: {  	s2 =	sand.u32 $0x4000, s30;
	s1 =	sand.u32 $0x1, s29;
	s0 =	sadd.s32 s31, s28  }
0xbe: {  	s1 =	sor.u32 s2, s1;
	s0 =	sshll.u32 s0, $0x11  }
0xbf: {  	s0 =	sor.u32 s0, s1  }
0xc0: {  	s0 =	sadd.s32 $0x8F2B, s0  }
0xc1: {  	[sflag:s0] =	ssyncadd.remote.s32 $0x1  }
0xc2: {  	_ =	sfence.sel $0xFFFF  }
0xc3: {  	[dreg:$0x0] =	wrdreg $0xFFFFFFFF;
	(pc) =	sbr.abs _section_cstart, $3  }
0xc4: {  	[dreg:$0x1] =	wrdreg $0xFFFFFFFF  }
0xc5: {  	_ =	task.clear_ibuf [dreg:s5], $0x2FFFF;
	_ =	strace $0x9FFFFFFF  }
0xc6: {  	(tm) =	ssettm $0x7FFFFFFF  }
0xc7: {  	_ =	shalt  }
tec
execute0_lowered:
.L_overlay_start_1:
0x0: {  	(tag) =	ssettag $0x1  }
0x1: {  	s1 =	stileid.u32  }
0x2: {  	p0 =	sgt.u32 s1, $0x7  }
.Ltmp0:
0x3: {  	_ = 	snop;
	(pc) =	sbr.rel @p0 .LBB2_2-.Ltmp0, $4  }
0x4: {  	s5 =	rddreg [dreg:$0x0]  }
0x5: {  	s2 =	rddreg [dreg:$0x1];
	s3 =	simm.s32 $0x0  }
0x6: {  	[smem:$0x7FF] =	sst s3  }
0x7: {  	s0 =	rddreg [dreg:$0x2];
	_ =	strace $0x80000047  }
0x8: {  	s6 =	sadd.s32 $0x1200, s5;
	s7 =	simm.s32 $0x80;
	s4 =	simm.s32 $0x400  }
0x9: {  	[tilespmem:s3], [sflag:$0x1] =	stream.strided.gather [hbm4b:s6+s7], $0x100, s4, s7, $0x38;
	[tilespmem:$0x480] =	vst v63  }
0xa: {  	s8 =	sadd.s32 $0x1000, s5;
	s5 =	sshll.u32 s1, $0x4;
	s9 =	simm.s32 $0x300  }
0xb: {  	[tilespmem:s9], [sflag:$0x1] =	stream.linear.gather [hbm4b:s8+s3], $0x80, $0x38;
	[tilespmem:$0x480] =	vst v63  }
0xc: {  	s12 =	simm.s32 $0x100;
	s6 =	sadd.s32 s6, s5  }
0xd: {  	[tilespmem:s12], [sflag:$0x1] =	stream.strided.gather [hbm4b:s6+s7], $0x100, s4, s7, $0x38;
	[tilespmem:$0x480] =	vst v63  }
0xe: {  	s14 =	simm.s32 $0x380;
	s15 =	simm.s32 $0x1;
	s13 =	sadd.s32 s8, s5  }
0xf: {  	[tilespmem:s14], [sflag:$0x1] =	stream.linear.gather [hbm4b:s13+s3], $0x80, $0x38;
	[tilespmem:$0x480] =	vst v63  }
0x10: {  	_ =	swait.ge [sflag:s15], $0x100  }
0x11: {  	[sflag:s15] =	ssyncset.done $0x0  }
0x12: {  	[sflag:s15] =	ssyncadd.s32 $0xFFFFFF00  }
0x13: {  	_ =	swait.ge [sflag:s15], $0x80  }
0x14: {  	[sflag:s15] =	ssyncset.done $0x0  }
0x15: {  	[sflag:s15] =	ssyncadd.s32 $0xFFFFFF80  }
0x16: {  	_ =	swait.ge [sflag:s15], $0x100  }
0x17: {  	[sflag:s15] =	ssyncset.done $0x0  }
0x18: {  	[sflag:s15] =	ssyncadd.s32 $0xFFFFFF00  }
0x19: {  	_ =	swait.ge [sflag:s15], $0x80  }
0x1a: {  	[sflag:s15] =	ssyncset.done $0x0  }
0x1b: {  	[sflag:s15] =	ssyncadd.s32 $0xFFFFFF80  }
0x1c: {  	v0 =	vld [tilespmem:$0x0];
	_ =	sdelay $0x1  }
0x1d: {  	v1 =	vld [tilespmem:$0x10];
	_ =	sdelay $0x1  }
0x1e: {  	v2 =	vld [tilespmem:$0x20]  }
0x1f: {  	(xrf2) =	vadd.scan.msk.f32 $0xffff, v0  }
0x20: {  	v3 =	vld [tilespmem:$0x30]  }
0x21: {  	(xrf2) =	vadd.scan.msk.f32 $0xffff, v1  }
0x22: {  	v4 =	vld [tilespmem:$0x40]  }
0x23: {  	(xrf2) =	vadd.scan.msk.f32 $0xffff, v2  }
0x24: {  	v5 =	vld [tilespmem:$0x50]  }
0x25: {  	(xrf2) =	vadd.scan.msk.f32 $0xffff, v3  }
0x26: {  	v6 =	vld [tilespmem:$0x60]  }
0x27: {  	(xrf2) =	vadd.scan.msk.f32 $0xffff, v4  }
0x28: {  	v7 =	vld [tilespmem:$0x70]  }
0x29: {  	v8, _, _ =	vpop (xrf2);
	(xrf2) =	vadd.scan.msk.f32 $0xffff, v5  }
0x2a: {  	v9 =	vld [tilespmem:$0x80];
	(v2sf) =	vpush v8, $0xF  }
0x2b: {  	v10, _, _ =	vpop (xrf2);
	(xrf2) =	vadd.scan.msk.f32 $0xffff, v6  }
0x2c: {  	v11 =	vld [tilespmem:$0x90];
	(v2sf) =	vpush v10, $0xF  }
0x2d: {  	v12, _, _ =	vpop (xrf2);
	(xrf2) =	vadd.scan.msk.f32 $0xffff, v7  }
0x2e: {  	v13 =	vld [tilespmem:$0xA0];
	(v2sf) =	vpush v12, $0xF  }
0x2f: {  	v14, _, _ =	vpop (xrf2);
	(xrf2) =	vadd.scan.msk.f32 $0xffff, v9  }
0x30: {  	v15 =	vld [tilespmem:$0xB0];
	(v2sf) =	vpush v14, $0xF  }
0x31: {  	v16, _, _ =	vpop (xrf2);
	(xrf2) =	vadd.scan.msk.f32 $0xffff, v11  }
0x32: {  	v17 =	vld [tilespmem:$0xC0];
	(v2sf) =	vpush v16, $0xF  }
0x33: {  	v18, _, _ =	vpop (xrf2);
	(xrf2) =	vadd.scan.msk.f32 $0xffff, v13  }
0x34: {  	v19 =	vld [tilespmem:$0xD0];
	(v2sf) =	vpush v18, $0xF  }
0x35: {  	v20, _, _ =	vpop (xrf2);
	(xrf2) =	vadd.scan.msk.f32 $0xffff, v15  }
0x36: {  	v21 =	vld [tilespmem:$0xE0];
	(v2sf) =	vpush v20, $0xF  }
0x37: {  	v22, _, _ =	vpop (xrf2);
	(xrf2) =	vadd.scan.msk.f32 $0xffff, v17  }
0x38: {  	(v2sf) =	vpush v22, $0xF  }
0x39: {  	v23, _, _ =	vpop (xrf2);
	(xrf2) =	vadd.scan.msk.f32 $0xffff, v19;
	s16 =	spop (v2sf)  }
0x3a: {  	(v2sf) =	vpush v23, $0xF;
	s6 =	sadd.f32 $0.0e+00, s16  }
0x3b: {  	v24, _, _ =	vpop (xrf2);
	(xrf2) =	vadd.scan.msk.f32 $0xffff, v21;
	s17 =	spop (v2sf)  }
0x3c: {  	(v2sf) =	vpush v24, $0xF;
	s7 =	sadd.f32 s17, s6  }
0x3d: {  	s18 =	spop (v2sf);
	v25, _, _ =	vpop (xrf2)  }
0x3e: {  	s8 =	sadd.f32 s18, s7;
	(v2sf) =	vpush v25, $0xF  }
0x3f: {  	s19 =	spop (v2sf);
	v26, _, _ =	vpop (xrf2)  }
0x40: {  	(v2sf) =	vpush v26, $0xF;
	s9 =	sadd.f32 s19, s8  }
0x41: {  	s10 =	spop (v2sf);
	v27, _, _ =	vpop (xrf2)  }
0x42: {  	(v2sf) =	vpush v27, $0xF;
	s10 =	sadd.f32 s10, s9  }
0x43: {  	v28, _, _ =	vpop (xrf2);
	s11 =	spop (v2sf)  }
0x44: {  	(v2sf) =	vpush v28, $0xF;
	s11 =	sadd.f32 s11, s10  }
0x45: {  	v29, _, _ =	vpop (xrf2);
	s12 =	spop (v2sf)  }
0x46: {  	v30 =	vld [tilespmem:$0xF0];
	(v2sf) =	vpush v29, $0xF;
	s12 =	sadd.f32 s12, s11  }
0x47: {  	v0 =	vsub.f32 v8, v0;
	s13 =	spop (v2sf)  }
0x48: {  	v1 =	vsub.f32 v10, v1;
	s13 =	sadd.f32 s13, s12  }
0x49: {  	v0 =	vadd.f32 $0.0e+00, v0;
	v2 =	vsub.f32 v12, v2;
	s14 =	spop (v2sf)  }
0x4a: {  	v3 =	vsub.f32 v14, v3;
	v1 =	vadd.f32 s6, v1;
	s20 =	sadd.f32 s14, s13  }
0x4b: {  	v40 =	vld [tilespmem:$0x300];
	[tilespmem:$0x200] =	vst v0;
	v39 =	vsub.f32 v16, v4;
	v38 =	vadd.f32 s7, v2;
	(xrf2) =	vadd.scan.msk.f32 $0xffff, v30;
	s21 =	spop (v2sf)  }
0x4c: {  	v42 =	vsub.f32 v18, v5;
	[tilespmem:$0x210] =	vst v1;
	v41 =	vadd.f32 s8, v3;
	s7 =	sadd.f32 s21, s20  }
0x4d: {  	v44 =	vsub.f32 v20, v6;
	[tilespmem:$0x220] =	vst v38;
	v43 =	vadd.f32 s9, v39;
	s22 =	spop (v2sf)  }
0x4e: {  	v46 =	vsub.f32 v22, v7;
	[tilespmem:$0x230] =	vst v41;
	v45 =	vadd.f32 s10, v42;
	s8 =	sadd.f32 s22, s7  }
0x4f: {  	v48 =	vsub.f32 v23, v9;
	[tilespmem:$0x240] =	vst v43;
	v47 =	vadd.f32 s11, v44;
	s23 =	spop (v2sf)  }
0x50: {  	(xrf0) =	vadd.scan.msk.s32 $0xffff, v40;
	v50 =	vsub.f32 v24, v11;
	[tilespmem:$0x250] =	vst v45;
	v49 =	vadd.f32 s12, v46;
	s9 =	sadd.f32 s23, s8  }
0x51: {  	v53 =	vld [tilespmem:$0x310];
	v52 =	vsub.f32 v25, v13;
	[tilespmem:$0x260] =	vst v47;
	v51 =	vadd.f32 s13, v48;
	s24 =	spop (v2sf)  }
0x52: {  	v55 =	vsub.f32 v26, v15;
	[tilespmem:$0x270] =	vst v49;
	v54 =	vadd.f32 s20, v50;
	s25 =	sadd.f32 s24, s9  }
0x53: {  	v57 =	vsub.f32 v27, v17;
	[tilespmem:$0x280] =	vst v51;
	v56 =	vadd.f32 s7, v52;
	s26 =	spop (v2sf)  }
0x54: {  	v59 =	vsub.f32 v28, v19;
	[tilespmem:$0x290] =	vst v54;
	v58 =	vadd.f32 s8, v55;
	s7 =	sadd.f32 s26, s25  }
0x55: {  	v61 =	vsub.f32 v29, v21;
	v62, _, _ =	vpop (xrf2);
	[tilespmem:$0x2A0] =	vst v56;
	v60 =	vadd.f32 s9, v57;
	s28 =	spop (v2sf)  }
0x56: {  	v10, _, _ =	vpop (xrf0);
	(xrf0) =	vadd.scan.msk.s32 $0xffff, v53;
	v9 =	vsub.f32 v62, v30;
	[tilespmem:$0x2B0] =	vst v58;
	v63 =	vadd.f32 s25, v59;
	s29 =	sadd.f32 s28, s7  }
0x57: {  	v12 =	vsub.s32 v10, v40;
	v13 =	vcvt.s32.f32 v40;
	[tilespmem:$0x2C0] =	vst v60;
	v11 =	vadd.f32 s7, v61  }
0x58: {  	[tilespmem:$0x2D0] =	vst v63;
	v14 =	vadd.f32 s29, v9  }
0x59: {  	(erf) = vrcp.f32 v13;
	[tilespmem:$0x2E0] =	vst v11  }
0x5a: {  	s6 =	simm.s32 $0x200;
	[tilespmem:$0x2F0] =	vst v14  }
0x5b: {  	v0 =	vld.idx.msk [tilespmem:v10+s6+$0x0], $0xffff  }
0x5c: {  	v15, _, _ =	vpop (xrf0);
	(v2sf) =	vpush v10, $0xF;
	v1 =	vld.idx.msk [tilespmem:v12+s6+$0x0], $0xffff  }
0x5d: {  	v16 =	vld [tilespmem:$0x320];
	(v2sf) =	vpush v15, $0xF;
	_ =	sdelay $0x2  }
0x5e: {  	v6 =	vbroadcast v10, $0xF  }
0x5f: {  	v0 =	vsub.f32 v0, v1  }
0x60: {  	(xrf0) =	vadd.scan.msk.s32 $0xffff, v16;
	v2 =	vadd.s32 v6, v15;
	v17 =	vpop (erf)  }
0x61: {  	v18 =	vsub.s32 v2, v53;
	v19 =	vcvt.s32.f32 v53;
	v0 =	vmul.f32 v0, v17  }
0x62: {  	vm0 =	vgt.s32 v40, $0x0  }
0x63: {  	(erf) = vrcp.f32 v19;
	v0 =	vnsel vm0, $0x0, v0  }
0x64: {  	[tilespmem:$0x400] =	vst v0  }
0x65: {  	v2 =	vld.idx.msk [tilespmem:v2+s6+$0x0], $0xffff  }
0x66: {  	v20, _, _ =	vpop (xrf0);
	v1 =	vld.idx.msk [tilespmem:v18+s6+$0x0], $0xffff  }
0x67: {  	(v2sf) =	vpush v20, $0xF;
	_ =	sdelay $0x1  }
0x68: {  	s30 =	spop (v2sf)  }
0x69: {  	s31 =	spop (v2sf)  }
0x6a: {  	s7 =	sadd.s32 s30, s31;
	v1 =	vsub.f32 v2, v1  }
0x6b: {  	v22 =	vld [tilespmem:$0x330];
	v21 =	vpop (erf);
	v4 =	vadd.s32 s7, v20  }
0x6c: {  	v24 =	vcvt.s32.f32 v16;
	v23 =	vsub.s32 v4, v16;
	v1 =	vmul.f32 v1, v21  }
0x6d: {  	vm13 =	vgt.s32 v53, $0x0  }
0x6e: {  	(erf) = vrcp.f32 v24;
	v1 =	vnsel vm13, $0x0, v1  }
0x6f: {  	[tilespmem:$0x410] =	vst v1  }
0x70: {  	(xrf0) =	vadd.scan.msk.s32 $0xffff, v22;
	v4 =	vld.idx.msk [tilespmem:v4+s6+$0x0], $0xffff  }
0x71: {  	v2 =	vld.idx.msk [tilespmem:v23+s6+$0x0], $0xffff;
	_ =	sdelay $0x3  }
0x72: {  	s9 =	spop (v2sf)  }
0x73: {  	v25, _, _ =	vpop (xrf0);
	s7 =	sadd.s32 s7, s9;
	v2 =	vsub.f32 v4, v2  }
0x74: {  	v26 =	vpop (erf);
	v4 =	vadd.s32 s7, v25  }
0x75: {  	v28 =	vcvt.s32.f32 v22;
	v27 =	vsub.s32 v4, v22;
	v2 =	vmul.f32 v2, v26  }
0x76: {  	vm14 =	vgt.s32 v16, $0x0  }
0x77: {  	(erf) = vrcp.f32 v28;
	v2 =	vnsel vm14, $0x0, v2  }
0x78: {  	[tilespmem:$0x420] =	vst v2  }
0x79: {  	v29 =	vld.idx.msk [tilespmem:v4+s6+$0x0], $0xffff  }
0x7a: {  	v30 =	vld.idx.msk [tilespmem:v27+s6+$0x0], $0xffff;
	_ =	sdelay $0x2  }
0x7b: {  	vm1 =	vlt.f32 v0, $0.0e+00;
	vm2 =	vgt.f32 v0, $0.0e+00  }
0x7c: {  	v32 =	vimm.s32 $0x0;
	v0 =	vadd.f32 $0.0e+00, v0;
	vm4 =	vmor vm2, vm1  }
0x7d: {  	vm5 =	vlt.f32 v1, $0.0e+00;
	vm6 =	vgt.f32 v1, $0.0e+00;
	v3 =	vsub.f32 v29, v30  }
0x7e: {  	vm15 =	vgt.s32 v22, $0x0;
	v31 =	vpop (erf);
	v33 =	vsel vm4, $0x3F800000, v32;
	vm7 =	vmor vm6, vm5  }
0x7f: {  	v0 =	vadd.f32 v1, v0;
	v34 =	vsel vm7, $0x3F800000, v32;
	v3 =	vmul.f32 v3, v31  }
0x80: {  	v1 =	vadd.f32 v34, v33;
	vm8 =	vlt.f32 v2, $0.0e+00;
	vm9 =	vgt.f32 v2, $0.0e+00  }
0x81: {  	v0 =	vadd.f32 v2, v0;
	vm0 =	vmor vm9, vm8;
	v3 =	vnsel vm15, $0x0, v3  }
0x82: {  	v35 =	vsel vm0, $0x3F800000, v32;
	vm10 =	vlt.f32 v3, $0.0e+00;
	vm11 =	vgt.f32 v3, $0.0e+00  }
0x83: {  	v2 =	vld [tilespmem:$0x100];
	v1 =	vadd.f32 v35, v1;
	vm0 =	vmor vm11, vm10  }
0x84: {  	v0 =	vadd.f32 v3, v0;
	v4 =	vsel vm0, $0x3F800000, v32  }
0x85: {  	v36 =	vld [tilespmem:$0x110];
	v1 =	vadd.f32 v4, v1  }
0x86: {  	(xrf2) =	vadd.scan.msk.f32 $0xffff, v0  }
0x87: {  	v37 =	vld [tilespmem:$0x120];
	(xrf2) =	vadd.scan.msk.f32 $0xffff, v1  }
0x88: {  	(xrf2) =	vadd.scan.msk.f32 $0xffff, v2  }
0x89: {  	v38 =	vld [tilespmem:$0x130]  }
0x8a: {  	(xrf2) =	vadd.scan.msk.f32 $0xffff, v36  }
0x8b: {  	v39 =	vld [tilespmem:$0x140]  }
0x8c: {  	(xrf2) =	vadd.scan.msk.f32 $0xffff, v37  }
0x8d: {  	v40 =	vld [tilespmem:$0x150]  }
0x8e: {  	(xrf2) =	vadd.scan.msk.f32 $0xffff, v38  }
0x8f: {  	v41 =	vld [tilespmem:$0x160]  }
0x90: {  	v42, _, _ =	vpop (xrf2);
	(xrf2) =	vadd.scan.msk.f32 $0xffff, v39  }
0x91: {  	v43 =	vld [tilespmem:$0x170];
	v0, _, _ =	vpop (xrf2)  }
0x92: {  	(xrf2) =	vadd.scan.msk.f32 $0xffff, v40;
	v44, _, _ =	vpop (xrf2)  }
0x93: {  	v45 =	vld [tilespmem:$0x180];
	(v2sf) =	vpush v44, $0xF  }
0x94: {  	(xrf2) =	vadd.scan.msk.f32 $0xffff, v41;
	v46, _, _ =	vpop (xrf2)  }
0x95: {  	v47 =	vld [tilespmem:$0x190];
	(v2sf) =	vpush v46, $0xF  }
0x96: {  	(xrf2) =	vadd.scan.msk.f32 $0xffff, v43;
	v48, _, _ =	vpop (xrf2)  }
0x97: {  	v49 =	vld [tilespmem:$0x1A0];
	(v2sf) =	vpush v48, $0xF  }
0x98: {  	(xrf2) =	vadd.scan.msk.f32 $0xffff, v45;
	v50, _, _ =	vpop (xrf2)  }
0x99: {  	v51 =	vld [tilespmem:$0x1B0];
	(v2sf) =	vpush v50, $0xF  }
0x9a: {  	v52, _, _ =	vpop (xrf2);
	(xrf2) =	vadd.scan.msk.f32 $0xffff, v47  }
0x9b: {  	v53 =	vld [tilespmem:$0x1C0];
	(v2sf) =	vpush v52, $0xF  }
0x9c: {  	v54, _, _ =	vpop (xrf2);
	(xrf2) =	vadd.scan.msk.f32 $0xffff, v49  }
0x9d: {  	v55 =	vld [tilespmem:$0x1D0];
	(v2sf) =	vpush v54, $0xF  }
0x9e: {  	v56, _, _ =	vpop (xrf2);
	(xrf2) =	vadd.scan.msk.f32 $0xffff, v51  }
0x9f: {  	v57 =	vld [tilespmem:$0x1E0];
	(v2sf) =	vpush v56, $0xF  }
0xa0: {  	v58, _, _ =	vpop (xrf2);
	(xrf2) =	vadd.scan.msk.f32 $0xffff, v53  }
0xa1: {  	(v2sf) =	vpush v58, $0xF  }
0xa2: {  	v59, _, _ =	vpop (xrf2);
	(xrf2) =	vadd.scan.msk.f32 $0xffff, v55;
	s10 =	spop (v2sf)  }
0xa3: {  	(v2sf) =	vpush v59, $0xF;
	s7 =	sadd.f32 $0.0e+00, s10  }
0xa4: {  	v60, _, _ =	vpop (xrf2);
	(xrf2) =	vadd.scan.msk.f32 $0xffff, v57;
	s11 =	spop (v2sf)  }
0xa5: {  	(v2sf) =	vpush v60, $0xF;
	s8 =	sadd.f32 s11, s7  }
0xa6: {  	s12 =	spop (v2sf);
	v61, _, _ =	vpop (xrf2)  }
0xa7: {  	(v2sf) =	vpush v61, $0xF;
	s9 =	sadd.f32 s12, s8  }
0xa8: {  	s13 =	spop (v2sf);
	v62, _, _ =	vpop (xrf2)  }
0xa9: {  	(v2sf) =	vpush v62, $0xF;
	s10 =	sadd.f32 s13, s9  }
0xaa: {  	v63, _, _ =	vpop (xrf2);
	s14 =	spop (v2sf)  }
0xab: {  	(v2sf) =	vpush v63, $0xF;
	s11 =	sadd.f32 s14, s10  }
0xac: {  	v31, _, _ =	vpop (xrf2);
	s15 =	spop (v2sf)  }
0xad: {  	(v2sf) =	vpush v31, $0xF;
	s12 =	sadd.f32 s15, s11  }
0xae: {  	s16 =	spop (v2sf);
	v32, _, _ =	vpop (xrf2)  }
0xaf: {  	v33 =	vld [tilespmem:$0x1F0];
	(v2sf) =	vpush v32, $0xF;
	s13 =	sadd.f32 s16, s12  }
0xb0: {  	v2 =	vsub.f32 v44, v2;
	s17 =	spop (v2sf)  }
0xb1: {  	v4 =	vsub.f32 v46, v36;
	s14 =	sadd.f32 s17, s13  }
0xb2: {  	v1 =	vsub.f32 v48, v37;
	v2 =	vadd.f32 $0.0e+00, v2;
	s15 =	spop (v2sf)  }
0xb3: {  	[tilespmem:$0x430] =	vst v3;
	v11 =	vsub.f32 v50, v38;
	v4 =	vadd.f32 s7, v4;
	s18 =	sadd.f32 s15, s14  }
0xb4: {  	v15 =	vld [tilespmem:$0x380];
	[tilespmem:$0x200] =	vst v2;
	v13 =	vsub.f32 v52, v39;
	v1 =	vadd.f32 s8, v1;
	(xrf2) =	vadd.scan.msk.f32 $0xffff, v33;
	s19 =	spop (v2sf)  }
0xb5: {  	v17 =	vsub.f32 v54, v40;
	[tilespmem:$0x210] =	vst v4;
	v3 =	vadd.f32 s9, v11;
	s8 =	sadd.f32 s19, s18  }
0xb6: {  	v19 =	vsub.f32 v56, v41;
	[tilespmem:$0x220] =	vst v1;
	v2 =	vadd.f32 s10, v13;
	s20 =	spop (v2sf)  }
0xb7: {  	v21 =	vsub.f32 v58, v43;
	[tilespmem:$0x230] =	vst v3;
	v4 =	vadd.f32 s11, v17;
	s9 =	sadd.f32 s20, s8  }
0xb8: {  	v23 =	vsub.f32 v59, v45;
	[tilespmem:$0x240] =	vst v2;
	v1 =	vadd.f32 s12, v19;
	s21 =	spop (v2sf)  }
0xb9: {  	(xrf0) =	vadd.scan.msk.s32 $0xffff, v15;
	v25 =	vsub.f32 v60, v47;
	[tilespmem:$0x250] =	vst v4;
	v3 =	vadd.f32 s13, v21;
	s10 =	sadd.f32 s21, s9  }
0xba: {  	v28 =	vld [tilespmem:$0x390];
	v27 =	vsub.f32 v61, v49;
	[tilespmem:$0x260] =	vst v1;
	v26 =	vadd.f32 s14, v23;
	s22 =	spop (v2sf)  }
0xbb: {  	v29 =	vsub.f32 v62, v51;
	[tilespmem:$0x270] =	vst v3;
	v4 =	vadd.f32 s18, v25;
	s23 =	sadd.f32 s22, s10  }
0xbc: {  	v30 =	vsub.f32 v63, v53;
	[tilespmem:$0x280] =	vst v26;
	v2 =	vadd.f32 s8, v27;
	s24 =	spop (v2sf)  }
0xbd: {  	v31 =	vsub.f32 v31, v55;
	[tilespmem:$0x290] =	vst v4;
	v3 =	vadd.f32 s9, v29;
	s8 =	sadd.f32 s24, s23  }
0xbe: {  	v34 =	vbroadcast v42, $0xF;
	v35 =	vsub.f32 v32, v57;
	v36, _, _ =	vpop (xrf2);
	[tilespmem:$0x2A0] =	vst v2;
	v1 =	vadd.f32 s10, v30;
	s25 =	spop (v2sf)  }
0xbf: {  	v39, _, _ =	vpop (xrf0);
	(xrf0) =	vadd.scan.msk.s32 $0xffff, v28;
	v38 =	vsub.f32 v36, v33;
	[tilespmem:$0x2B0] =	vst v3;
	v37 =	vadd.f32 s23, v31;
	s26 =	sadd.f32 s25, s8  }
0xc0: {  	v42 =	vcvt.s32.f32 v15;
	v41 =	vsub.s32 v39, v15;
	[tilespmem:$0x2C0] =	vst v1;
	v40 =	vadd.f32 s8, v35  }
0xc1: {  	(erf) = vrcp.f32 v34;
	[tilespmem:$0x2D0] =	vst v37;
	v43 =	vadd.f32 s26, v38  }
0xc2: {  	(erf) = vrcp.f32 v42;
	[tilespmem:$0x2E0] =	vst v40  }
0xc3: {  	[tilespmem:$0x2F0] =	vst v43  }
0xc4: {  	v1 =	vld.idx.msk [tilespmem:v39+s6+$0x0], $0xffff  }
0xc5: {  	v44, _, _ =	vpop (xrf0);
	(v2sf) =	vpush v39, $0xF;
	v2 =	vld.idx.msk [tilespmem:v41+s6+$0x0], $0xffff  }
0xc6: {  	v45 =	vld [tilespmem:$0x3A0];
	(v2sf) =	vpush v44, $0xF;
	_ =	sdelay $0x2  }
0xc7: {  	v46 =	vbroadcast v39, $0xF  }
0xc8: {  	v47 =	vpop (erf);
	v1 =	vsub.f32 v1, v2  }
0xc9: {  	v48 =	vpop (erf);
	(xrf0) =	vadd.scan.msk.s32 $0xffff, v45;
	v3 =	vadd.s32 v46, v44  }
0xca: {  	v50 =	vcvt.s32.f32 v28;
	v49 =	vsub.s32 v3, v28;
	v1 =	vmul.f32 v1, v48  }
0xcb: {  	vm12 =	vgt.s32 v15, $0x0  }
0xcc: {  	(erf) = vrcp.f32 v50;
	v1 =	vnsel vm12, $0x0, v1  }
0xcd: {  	[tilespmem:$0x400] =	vst v1  }
0xce: {  	v3 =	vld.idx.msk [tilespmem:v3+s6+$0x0], $0xffff  }
0xcf: {  	v51, _, _ =	vpop (xrf0);
	v2 =	vld.idx.msk [tilespmem:v49+s6+$0x0], $0xffff  }
0xd0: {  	(v2sf) =	vpush v51, $0xF;
	_ =	sdelay $0x1  }
0xd1: {  	s28 =	spop (v2sf)  }
0xd2: {  	s29 =	spop (v2sf)  }
0xd3: {  	s7 =	sadd.s32 s28, s29;
	v2 =	vsub.f32 v3, v2  }
0xd4: {  	v53 =	vld [tilespmem:$0x3B0];
	v52 =	vpop (erf);
	v5 =	vadd.s32 s7, v51  }
0xd5: {  	v55 =	vcvt.s32.f32 v45;
	v54 =	vsub.s32 v5, v45;
	v2 =	vmul.f32 v2, v52  }
0xd6: {  	vm13 =	vgt.s32 v28, $0x0  }
0xd7: {  	(erf) = vrcp.f32 v55;
	v2 =	vnsel vm13, $0x0, v2  }
0xd8: {  	[tilespmem:$0x410] =	vst v2  }
0xd9: {  	(xrf0) =	vadd.scan.msk.s32 $0xffff, v53;
	v5 =	vld.idx.msk [tilespmem:v5+s6+$0x0], $0xffff  }
0xda: {  	v3 =	vld.idx.msk [tilespmem:v54+s6+$0x0], $0xffff;
	_ =	sdelay $0x3  }
0xdb: {  	s30 =	spop (v2sf)  }
0xdc: {  	v56, _, _ =	vpop (xrf0);
	s7 =	sadd.s32 s7, s30;
	v3 =	vsub.f32 v5, v3  }
0xdd: {  	v57 =	vpop (erf);
	v5 =	vadd.s32 s7, v56  }
0xde: {  	v59 =	vcvt.s32.f32 v53;
	v58 =	vsub.s32 v5, v53;
	v3 =	vmul.f32 v3, v57  }
0xdf: {  	vm14 =	vgt.s32 v45, $0x0  }
0xe0: {  	(erf) = vrcp.f32 v59;
	v3 =	vnsel vm14, $0x0, v3  }
0xe1: {  	[tilespmem:$0x420] =	vst v3  }
0xe2: {  	v60 =	vld.idx.msk [tilespmem:v5+s6+$0x0], $0xffff  }
0xe3: {  	v61 =	vld.idx.msk [tilespmem:v58+s6+$0x0], $0xffff;
	_ =	sdelay $0x1  }
0xe4: {  	v0 =	vmax.f32 v0, $1.000000000e+00  }
0xe5: {  	v0 =	vbroadcast v0, $0xF;
	_ =	sdelay $0x1  }
0xe6: {  	v0 =	vmul.f32 v0, v47;
	v4 =	vsub.f32 v60, v61  }
0xe7: {  	v62 =	vpop (erf)  }
0xe8: {  	v1 =	vmul.f32 v1, v0;
	v4 =	vmul.f32 v4, v62  }
0xe9: {  	vm15 =	vgt.s32 v53, $0x0;
	v2 =	vmul.f32 v2, v0  }
0xea: {  	v63 =	vmul.f32 v3, v0;
	[tilespmem:$0x400] =	vst v1;
	v4 =	vnsel vm15, $0x0, v4  }
0xeb: {  	[tilespmem:$0x410] =	vst v2;
	v0 =	vmul.f32 v4, v0  }
0xec: {  	[tilespmem:$0x420] =	vst v63  }
0xed: {  	s2 =	sadd.s32 s2, s5;
	s31 =	simm.s32 $0x2;
	[tilespmem:$0x430] =	vst v0  }
0xee: {  	[hbm4b:s2+s3] =	stream.linear.scatter [tilespmem:s4], [sflag:$0x2], $0x80, $0x38;
	[tilespmem:$0x480] =	vst v63  }
0xef: {  	_ =	swait.ge [sflag:s31], $0x80  }
0xf0: {  	[sflag:s31] =	ssyncset.done $0x0  }
0xf1: {  	[sflag:s31] =	ssyncadd.s32 $0xFFFFFF80  }
.LBB2_2:
0xf2: {  	_ =	sfence.sel $0x180000  }
0xf3: {  	[bflag:$0x0] =	sbarrier.arrive $0xFFFF  }
0xf4: {  	p0 =	sne.s32 s1, $0x0;
	_ =	strace $0x90000047  }
0xf5: {  	s0 =	sadd.s32 @!p0 $0x100000, s0;
	[bflag:$0x2] =	sbarrier.arrive $0xFFFF  }
0xf6: {  	[sflag:s0] =	ssyncadd.tile.s32 @!p0 $0x1;
	_ =	shalt  }
.Lfunc_end2:
_tile_overlayer_lowered:
.L_overlay_start_2:
0xf7: {  	(tag) =	ssettag $0x2  }
0xf8: {  	s0 =	rddreg [dreg:$0x0];
	s2 =	stileid.u32  }
0xf9: {  	s1 =	rddreg [dreg:$0x1];
	p0 =	sne.s32 s2, $0x0  }
0xfa: {  	s3 =	rddreg [dreg:$0x2];
	[bflag:$0x3] =	sbarrier.arrive $0xFFFF;
	s2 =	simm.s32 @!p0 $0x1C02  }
0xfb: {  	[timem:s3], [sflag:s2] =	dma.local @!p0 [hbm:s0], s1  }
0xfc: {  	s0 =	simm.s32 @!p0 $0x2  }
0xfd: {  	_ =	swait.ge @!p0 [sflag:s0], s1  }
0xfe: {  	s1 =	ssub.s32 @!p0 $0x0, s1;
	[sflag:s0] =	ssyncset.done @!p0 $0x0  }
0xff: {  	[sflag:s0] =	ssyncadd.s32 @!p0 s1  }
0x100: {  	[bflag:$0x3] =	sbarrier.arrive $0xFFFF  }
0x101: {  	_ =	shalt  }

</sc_bundles>
